<compile_context>
chip_gen: v7x
topology: tpu7x:2x2x1
jax: 0.10.2.dev20260603
libtpu: 0.0.44.dev20260713+nightly
codegen_flags: <defaults>
</compile_context>

<pallas_src>
import functools

import jax
import jax.numpy as jnp
from jax import lax
from jax.experimental import pallas as pl
from jax.experimental.pallas import tpu as pltpu
from jax.experimental.pallas import tpu_sc as plsc

CONT = 13
CATE = 26
NC = 2
NS = 16
NW = NC * NS


def _make_sc_kernel(B):
    bpw = B // NW
    n_idx = bpw * CATE
    mesh = plsc.VectorSubcoreMesh(core_axis_name="c", subcore_axis_name="s")

    @functools.partial(
        pl.kernel,
        out_type=jax.ShapeDtypeStruct((B,), jnp.float32),
        mesh=mesh,
        compiler_params=pltpu.CompilerParams(needs_layout_passes=False),
        scratch_types=[
            pltpu.VMEM((bpw * (CATE + CONT),), jnp.int32),
            pltpu.VMEM((n_idx,), jnp.float32),
            pltpu.VMEM((16,), jnp.float32),
            pltpu.VMEM((bpw,), jnp.float32),
            pltpu.SemaphoreType.DMA,
            pltpu.SemaphoreType.DMA,
            pltpu.SemaphoreType.DMA,
            pltpu.SemaphoreType.DMA,
        ],
    )
    def sc_kernel(table_hbm, packed_hbm, out_hbm,
                  pk_v, gat_v, w_v, out_v, s0, s1, s2, s3):
        wid = lax.axis_index("s") * NC + lax.axis_index("c")
        base = wid * bpw
        sems = [s0, s1, s2, s3]
        segs = [(0, 7), (7, 7), (14, 6), (20, 6)]

        table_1d = table_hbm.at[0]

        def seg_copy(k):
            j0, nj = segs[k]
            return pltpu.make_async_copy(
                table_1d.at[pk_v.at[pl.ds(j0 * bpw, nj * bpw)]],
                gat_v.at[pl.ds(j0 * bpw, nj * bpw)],
                sems[k],
            )

        pltpu.sync_copy(packed_hbm.at[wid], pk_v)
        for k in range(4):
            seg_copy(k).start()
        pltpu.sync_copy(table_1d.at[pl.ds(0, 16)], w_v)

        wv = w_v[...]
        ws = [wv[j] for j in range(CONT)]

        for k in range(4):
            j0, nj = segs[k]
            seg_copy(k).wait()

            def body(g, carry, j0=j0, nj=nj, k=k):
                off = g * 16
                if k == 0:
                    cv = plsc.bitcast(pk_v[pl.ds(CATE * bpw + off, 16)],
                                      jnp.float32)
                    acc = cv * ws[0]
                    for j in range(1, CONT):
                        cv = plsc.bitcast(
                            pk_v[pl.ds((CATE + j) * bpw + off, 16)],
                            jnp.float32)
                        acc = acc + cv * ws[j]
                else:
                    acc = out_v[pl.ds(off, 16)]
                for j in range(j0, j0 + nj):
                    acc = acc + gat_v[pl.ds(j * bpw + off, 16)]
                if k == 3:
                    acc = 1.0 / (1.0 + jnp.exp(-acc))
                out_v[pl.ds(off, 16)] = acc
                return carry

            lax.fori_loop(0, bpw // 16, body, 0)

        pltpu.sync_copy(out_v, out_hbm.at[pl.ds(base, bpw)])

    return sc_kernel


def kernel(conts, cates, combs, table):
    del combs
    B = conts.shape[0]
    bpw = B // NW
    packed = jnp.concatenate(
        [cates.astype(jnp.int32),
         jax.lax.bitcast_convert_type(conts, jnp.int32)], axis=1)
    packed_t = (
        packed.reshape(NW, bpw, CATE + CONT)
        .transpose(0, 2, 1)
        .reshape(NW, bpw * (CATE + CONT))
    )
    out = _make_sc_kernel(B)(table.T, packed_t)
    return out.reshape(B, 1)

# --- scband reference (transcript-rebuilt; emitter-appended) ---
"""Pipeline reference for scband-lr-5944234738094 (READ-ONLY COPY).

The authoritative reference and input builder live on the scoring server;
editing this copy changes nothing except your own understanding.
"""

import jax, jax.numpy as jnp
import numpy as np

CONT_FIELD = 13
CATE_FIELD = 26
CATE_CONT_FEATURE = 1000000
BATCH = 16384


def setup_inputs(seed: int = 0) -> dict:
    key = jax.random.key(seed)
    k1, k2, k3, k4 = jax.random.split(key, 4)
    conts = jax.random.uniform(k1, (BATCH, CONT_FIELD), dtype=jnp.float32)
    cates = jax.random.randint(k2, (BATCH, CATE_FIELD), 0, CATE_CONT_FEATURE, dtype=jnp.int64)
    combs = jax.random.randint(k3, (BATCH, CATE_FIELD), 0, CATE_CONT_FEATURE, dtype=jnp.int64)
    a = float(np.square(3.0 / (CATE_FIELD * 1)))
    table = jax.random.uniform(k4, (CATE_CONT_FEATURE, 1), minval=-a, maxval=a, dtype=jnp.float32)
    return {"conts": conts, "cates": cates, "combs": combs, "table": table}


def reference(conts, cates, combs, table):
    batch_size = conts.shape[0]
    # continuous feature weights: rows [0, cont_field) of the table, scaled by values
    cont_idx = jnp.broadcast_to(jnp.arange(CONT_FIELD, dtype=jnp.int32)[None, :], conts.shape)
    cont_embedding = jnp.take(table, cont_idx, axis=0)  # [B, cont_field, 1]
    cont_embedding = cont_embedding * conts[:, :, None]
    # categorical feature weights via embedding lookup
    cate_embedding = jnp.take(table, cates, axis=0)  # [B, cate_field, 1]
    X = jnp.concatenate((cont_embedding, cate_embedding), axis=1).reshape(batch_size, -1)
    logit = jax.nn.sigmoid(jnp.sum(X, axis=1, keepdims=True))
    return logit

if __name__ == "__main__":
    import jax
    _d = setup_inputs()
    print(jax.jit(kernel)(*tuple(_d.values())))

</pallas_src>

<mosaic_0001>
#map = affine_map<(d0, d1) -> (0, 0)>
#map1 = affine_map<(d0, d1) -> (0)>
module attributes {stable_mosaic.version = 14 : i64} {
  func.func @sc_kernel(%arg0: i32, %arg1: i32, %arg2: memref<1x1000000xf32, #tpu.memory_space<hbm>>, %arg3: memref<32x19968xi32, #tpu.memory_space<hbm>>, %arg4: memref<16384xf32, #tpu.memory_space<hbm>>, %arg5: memref<19968xi32, #tpu.memory_space<vmem>>, %arg6: memref<13312xf32, #tpu.memory_space<vmem>>, %arg7: memref<16xf32, #tpu.memory_space<vmem>>, %arg8: memref<512xf32, #tpu.memory_space<vmem>>, %arg9: memref<!tpu.dma_semaphore, #tpu.memory_space<semaphore_mem>>, %arg10: memref<!tpu.dma_semaphore, #tpu.memory_space<semaphore_mem>>, %arg11: memref<!tpu.dma_semaphore, #tpu.memory_space<semaphore_mem>>, %arg12: memref<!tpu.dma_semaphore, #tpu.memory_space<semaphore_mem>>) attributes {dimension_semantics = [#tpu.dimension_semantics<core_parallel>, #tpu.dimension_semantics<subcore_parallel>], iteration_bounds = array<i64: 2, 16>, scalar_prefetch = 0 : i64, scratch_operands = 8 : i64, tpu.core_type = #tpu.core_type<sc_vector_subcore>, window_params = [{transform_indices = #map}, {transform_indices = #map}, {transform_indices = #map1}]} {
    %mul3A = arith.constant 2 : i32
    %mul3A_0 = arith.muli %arg1, %mul3A : i32
    %add3A = arith.addi %mul3A_0, %arg0 : i32
    %mul3A_1 = arith.constant 512 : i32
    %mul3A_2 = arith.muli %add3A, %mul3A_1 : i32
    "tpu.region"() ({
      %run_scoped3A_129 = tpu.sem_alloc : memref<!tpu.dma_semaphore, #tpu.memory_space<semaphore_mem>>
      %dma_start3A_130 = arith.constant 0 : i32
      %dma_start3A_131 = tpu.memref_slice %arg3[%add3A, %dma_start3A_130] : memref<32x19968xi32, #tpu.memory_space<hbm>> -> memref<1x19968xi32, #tpu.memory_space<hbm>>
      %dma_start3A_132 = tpu.memref_squeeze %dma_start3A_131 : memref<1x19968xi32, #tpu.memory_space<hbm>> -> memref<19968xi32, #tpu.memory_space<hbm>>
      %dma_start3A_133 = arith.constant 0 : i32
      %dma_start3A_134 = tpu.memref_slice %arg3[%add3A, %dma_start3A_133] : memref<32x19968xi32, #tpu.memory_space<hbm>> -> memref<1x19968xi32, #tpu.memory_space<hbm>>
      %dma_start3A_135 = tpu.memref_squeeze %dma_start3A_134 : memref<1x19968xi32, #tpu.memory_space<hbm>> -> memref<19968xi32, #tpu.memory_space<hbm>>
      tpu.enqueue_dma source(%dma_start3A_135 : memref<19968xi32, #tpu.memory_space<hbm>>) target(%arg5 : memref<19968xi32, #tpu.memory_space<vmem>>) target_semaphore(%run_scoped3A_129 : memref<!tpu.dma_semaphore, #tpu.memory_space<semaphore_mem>>)
      %dma_wait3A_136 = arith.constant 0 : i32
      %dma_wait3A_137 = tpu.memref_slice %arg3[%add3A, %dma_wait3A_136] : memref<32x19968xi32, #tpu.memory_space<hbm>> -> memref<1x19968xi32, #tpu.memory_space<hbm>>
      %dma_wait3A_138 = tpu.memref_squeeze %dma_wait3A_137 : memref<1x19968xi32, #tpu.memory_space<hbm>> -> memref<19968xi32, #tpu.memory_space<hbm>>
      %dma_wait3A_139 = arith.constant 0 : i32
      %dma_wait3A_140 = tpu.memref_slice %arg3[%add3A, %dma_wait3A_139] : memref<32x19968xi32, #tpu.memory_space<hbm>> -> memref<1x19968xi32, #tpu.memory_space<hbm>>
      %dma_wait3A_141 = tpu.memref_squeeze %dma_wait3A_140 : memref<1x19968xi32, #tpu.memory_space<hbm>> -> memref<19968xi32, #tpu.memory_space<hbm>>
      tpu.wait_dma2 semaphore(%run_scoped3A_129 : memref<!tpu.dma_semaphore, #tpu.memory_space<semaphore_mem>>) src(%dma_wait3A_141 : memref<19968xi32, #tpu.memory_space<hbm>>) dst(%arg5 : memref<19968xi32, #tpu.memory_space<vmem>>)
      tpu.yield
    }) : () -> ()
    %dma_start3A = arith.constant 0 : i32
    %dma_start3A_3 = arith.constant 0 : i32
    %dma_start3A_4 = tpu.memref_slice %arg6[%dma_start3A_3] : memref<13312xf32, #tpu.memory_space<vmem>> -> memref<3584xf32, #tpu.memory_space<vmem>>
    %dma_start3A_5 = arith.constant 0 : i32
    %dma_start3A_6 = tpu.memref_slice %arg5[%dma_start3A_5] : memref<19968xi32, #tpu.memory_space<vmem>> -> memref<3584xi32, #tpu.memory_space<vmem>>
    %dma_start3A_7 = arith.constant 0 : i32
    %dma_start3A_8 = tpu.memref_slice %arg2[%dma_start3A, %dma_start3A_7] : memref<1x1000000xf32, #tpu.memory_space<hbm>> -> memref<1x1000000xf32, #tpu.memory_space<hbm>>
    %dma_start3A_9 = tpu.memref_squeeze %dma_start3A_8 : memref<1x1000000xf32, #tpu.memory_space<hbm>> -> memref<1000000xf32, #tpu.memory_space<hbm>>
    %dma_start3A_10 = arith.constant 0 : i32
    %dma_start3A_11 = tpu.memref_slice %dma_start3A_9[%dma_start3A_10] : memref<1000000xf32, #tpu.memory_space<hbm>> -> memref<1000000xf32, #tpu.memory_space<hbm>>
    tpu.enqueue_indirect_dma source(%dma_start3A_11 : memref<1000000xf32, #tpu.memory_space<hbm>>) target(%dma_start3A_4 : memref<3584xf32, #tpu.memory_space<vmem>>) offsets(%dma_start3A_6 : memref<3584xi32, #tpu.memory_space<vmem>>) semaphore(%arg9 : memref<!tpu.dma_semaphore, #tpu.memory_space<semaphore_mem>>)
    %dma_start3A_12 = arith.constant 0 : i32
    %dma_start3A_13 = arith.constant 3584 : i32
    %dma_start3A_14 = tpu.memref_slice %arg6[%dma_start3A_13] : memref<13312xf32, #tpu.memory_space<vmem>> -> memref<3584xf32, #tpu.memory_space<vmem>>
    %dma_start3A_15 = arith.constant 3584 : i32
    %dma_start3A_16 = tpu.memref_slice %arg5[%dma_start3A_15] : memref<19968xi32, #tpu.memory_space<vmem>> -> memref<3584xi32, #tpu.memory_space<vmem>>
    %dma_start3A_17 = arith.constant 0 : i32
    %dma_start3A_18 = tpu.memref_slice %arg2[%dma_start3A_12, %dma_start3A_17] : memref<1x1000000xf32, #tpu.memory_space<hbm>> -> memref<1x1000000xf32, #tpu.memory_space<hbm>>
    %dma_start3A_19 = tpu.memref_squeeze %dma_start3A_18 : memref<1x1000000xf32, #tpu.memory_space<hbm>> -> memref<1000000xf32, #tpu.memory_space<hbm>>
    %dma_start3A_20 = arith.constant 0 : i32
    %dma_start3A_21 = tpu.memref_slice %dma_start3A_19[%dma_start3A_20] : memref<1000000xf32, #tpu.memory_space<hbm>> -> memref<1000000xf32, #tpu.memory_space<hbm>>
    tpu.enqueue_indirect_dma source(%dma_start3A_21 : memref<1000000xf32, #tpu.memory_space<hbm>>) target(%dma_start3A_14 : memref<3584xf32, #tpu.memory_space<vmem>>) offsets(%dma_start3A_16 : memref<3584xi32, #tpu.memory_space<vmem>>) semaphore(%arg10 : memref<!tpu.dma_semaphore, #tpu.memory_space<semaphore_mem>>)
    %dma_start3A_22 = arith.constant 0 : i32
    %dma_start3A_23 = arith.constant 7168 : i32
    %dma_start3A_24 = tpu.memref_slice %arg6[%dma_start3A_23] : memref<13312xf32, #tpu.memory_space<vmem>> -> memref<3072xf32, #tpu.memory_space<vmem>>
    %dma_start3A_25 = arith.constant 7168 : i32
    %dma_start3A_26 = tpu.memref_slice %arg5[%dma_start3A_25] : memref<19968xi32, #tpu.memory_space<vmem>> -> memref<3072xi32, #tpu.memory_space<vmem>>
    %dma_start3A_27 = arith.constant 0 : i32
    %dma_start3A_28 = tpu.memref_slice %arg2[%dma_start3A_22, %dma_start3A_27] : memref<1x1000000xf32, #tpu.memory_space<hbm>> -> memref<1x1000000xf32, #tpu.memory_space<hbm>>
    %dma_start3A_29 = tpu.memref_squeeze %dma_start3A_28 : memref<1x1000000xf32, #tpu.memory_space<hbm>> -> memref<1000000xf32, #tpu.memory_space<hbm>>
    %dma_start3A_30 = arith.constant 0 : i32
    %dma_start3A_31 = tpu.memref_slice %dma_start3A_29[%dma_start3A_30] : memref<1000000xf32, #tpu.memory_space<hbm>> -> memref<1000000xf32, #tpu.memory_space<hbm>>
    tpu.enqueue_indirect_dma source(%dma_start3A_31 : memref<1000000xf32, #tpu.memory_space<hbm>>) target(%dma_start3A_24 : memref<3072xf32, #tpu.memory_space<vmem>>) offsets(%dma_start3A_26 : memref<3072xi32, #tpu.memory_space<vmem>>) semaphore(%arg11 : memref<!tpu.dma_semaphore, #tpu.memory_space<semaphore_mem>>)
    %dma_start3A_32 = arith.constant 0 : i32
    %dma_start3A_33 = arith.constant 10240 : i32
    %dma_start3A_34 = tpu.memref_slice %arg6[%dma_start3A_33] : memref<13312xf32, #tpu.memory_space<vmem>> -> memref<3072xf32, #tpu.memory_space<vmem>>
    %dma_start3A_35 = arith.constant 10240 : i32
    %dma_start3A_36 = tpu.memref_slice %arg5[%dma_start3A_35] : memref<19968xi32, #tpu.memory_space<vmem>> -> memref<3072xi32, #tpu.memory_space<vmem>>
    %dma_start3A_37 = arith.constant 0 : i32
    %dma_start3A_38 = tpu.memref_slice %arg2[%dma_start3A_32, %dma_start3A_37] : memref<1x1000000xf32, #tpu.memory_space<hbm>> -> memref<1x1000000xf32, #tpu.memory_space<hbm>>
    %dma_start3A_39 = tpu.memref_squeeze %dma_start3A_38 : memref<1x1000000xf32, #tpu.memory_space<hbm>> -> memref<1000000xf32, #tpu.memory_space<hbm>>
    %dma_start3A_40 = arith.constant 0 : i32
    %dma_start3A_41 = tpu.memref_slice %dma_start3A_39[%dma_start3A_40] : memref<1000000xf32, #tpu.memory_space<hbm>> -> memref<1000000xf32, #tpu.memory_space<hbm>>
    tpu.enqueue_indirect_dma source(%dma_start3A_41 : memref<1000000xf32, #tpu.memory_space<hbm>>) target(%dma_start3A_34 : memref<3072xf32, #tpu.memory_space<vmem>>) offsets(%dma_start3A_36 : memref<3072xi32, #tpu.memory_space<vmem>>) semaphore(%arg12 : memref<!tpu.dma_semaphore, #tpu.memory_space<semaphore_mem>>)
    %run_scoped3A = arith.constant 0 : i32
    "tpu.region"() ({
      %run_scoped3A_129 = tpu.sem_alloc : memref<!tpu.dma_semaphore, #tpu.memory_space<semaphore_mem>>
      %dma_start3A_130 = arith.constant 0 : i32
      %dma_start3A_131 = tpu.memref_slice %arg2[%run_scoped3A, %dma_start3A_130] : memref<1x1000000xf32, #tpu.memory_space<hbm>> -> memref<1x1000000xf32, #tpu.memory_space<hbm>>
      %dma_start3A_132 = tpu.memref_squeeze %dma_start3A_131 : memref<1x1000000xf32, #tpu.memory_space<hbm>> -> memref<1000000xf32, #tpu.memory_space<hbm>>
      %dma_start3A_133 = arith.constant 0 : i32
      %dma_start3A_134 = tpu.memref_slice %dma_start3A_132[%dma_start3A_133] : memref<1000000xf32, #tpu.memory_space<hbm>> -> memref<16xf32, #tpu.memory_space<hbm>>
      %dma_start3A_135 = arith.constant 0 : i32
      %dma_start3A_136 = tpu.memref_slice %arg2[%run_scoped3A, %dma_start3A_135] : memref<1x1000000xf32, #tpu.memory_space<hbm>> -> memref<1x1000000xf32, #tpu.memory_space<hbm>>
      %dma_start3A_137 = tpu.memref_squeeze %dma_start3A_136 : memref<1x1000000xf32, #tpu.memory_space<hbm>> -> memref<1000000xf32, #tpu.memory_space<hbm>>
      %dma_start3A_138 = arith.constant 0 : i32
      %dma_start3A_139 = tpu.memref_slice %dma_start3A_137[%dma_start3A_138] : memref<1000000xf32, #tpu.memory_space<hbm>> -> memref<16xf32, #tpu.memory_space<hbm>>
      tpu.enqueue_dma source(%dma_start3A_139 : memref<16xf32, #tpu.memory_space<hbm>>) target(%arg7 : memref<16xf32, #tpu.memory_space<vmem>>) target_semaphore(%run_scoped3A_129 : memref<!tpu.dma_semaphore, #tpu.memory_space<semaphore_mem>>)
      %dma_wait3A_140 = arith.constant 0 : i32
      %dma_wait3A_141 = tpu.memref_slice %arg2[%run_scoped3A, %dma_wait3A_140] : memref<1x1000000xf32, #tpu.memory_space<hbm>> -> memref<1x1000000xf32, #tpu.memory_space<hbm>>
      %dma_wait3A_142 = tpu.memref_squeeze %dma_wait3A_141 : memref<1x1000000xf32, #tpu.memory_space<hbm>> -> memref<1000000xf32, #tpu.memory_space<hbm>>
      %dma_wait3A_143 = arith.constant 0 : i32
      %dma_wait3A_144 = tpu.memref_slice %dma_wait3A_142[%dma_wait3A_143] : memref<1000000xf32, #tpu.memory_space<hbm>> -> memref<16xf32, #tpu.memory_space<hbm>>
      %dma_wait3A_145 = arith.constant 0 : i32
      %dma_wait3A_146 = tpu.memref_slice %arg2[%run_scoped3A, %dma_wait3A_145] : memref<1x1000000xf32, #tpu.memory_space<hbm>> -> memref<1x1000000xf32, #tpu.memory_space<hbm>>
      %dma_wait3A_147 = tpu.memref_squeeze %dma_wait3A_146 : memref<1x1000000xf32, #tpu.memory_space<hbm>> -> memref<1000000xf32, #tpu.memory_space<hbm>>
      %dma_wait3A_148 = arith.constant 0 : i32
      %dma_wait3A_149 = tpu.memref_slice %dma_wait3A_147[%dma_wait3A_148] : memref<1000000xf32, #tpu.memory_space<hbm>> -> memref<16xf32, #tpu.memory_space<hbm>>
      tpu.wait_dma2 semaphore(%run_scoped3A_129 : memref<!tpu.dma_semaphore, #tpu.memory_space<semaphore_mem>>) src(%dma_wait3A_149 : memref<16xf32, #tpu.memory_space<hbm>>) dst(%arg7 : memref<16xf32, #tpu.memory_space<vmem>>)
      tpu.yield
    }) : () -> ()
    %get3A = arith.constant 0 : index
    %get3A_42 = tpu.vector_load %arg7[%get3A] {strides = array<i32>} : memref<16xf32, #tpu.memory_space<vmem>>, vector<16xf32>,
    %slice3A = vector.extract_strided_slice %get3A_42 {offsets = [0], sizes = [1], strides = [1]} : vector<16xf32> to vector<1xf32>
    %squeeze3A = vector.extract %slice3A[0] : f32 from vector<1xf32>
    %slice3A_43 = vector.extract_strided_slice %get3A_42 {offsets = [1], sizes = [1], strides = [1]} : vector<16xf32> to vector<1xf32>
    %squeeze3A_44 = vector.extract %slice3A_43[0] : f32 from vector<1xf32>
    %slice3A_45 = vector.extract_strided_slice %get3A_42 {offsets = [2], sizes = [1], strides = [1]} : vector<16xf32> to vector<1xf32>
    %squeeze3A_46 = vector.extract %slice3A_45[0] : f32 from vector<1xf32>
    %slice3A_47 = vector.extract_strided_slice %get3A_42 {offsets = [3], sizes = [1], strides = [1]} : vector<16xf32> to vector<1xf32>
    %squeeze3A_48 = vector.extract %slice3A_47[0] : f32 from vector<1xf32>
    %slice3A_49 = vector.extract_strided_slice %get3A_42 {offsets = [4], sizes = [1], strides = [1]} : vector<16xf32> to vector<1xf32>
    %squeeze3A_50 = vector.extract %slice3A_49[0] : f32 from vector<1xf32>
    %slice3A_51 = vector.extract_strided_slice %get3A_42 {offsets = [5], sizes = [1], strides = [1]} : vector<16xf32> to vector<1xf32>
    %squeeze3A_52 = vector.extract %slice3A_51[0] : f32 from vector<1xf32>
    %slice3A_53 = vector.extract_strided_slice %get3A_42 {offsets = [6], sizes = [1], strides = [1]} : vector<16xf32> to vector<1xf32>
    %squeeze3A_54 = vector.extract %slice3A_53[0] : f32 from vector<1xf32>
    %slice3A_55 = vector.extract_strided_slice %get3A_42 {offsets = [7], sizes = [1], strides = [1]} : vector<16xf32> to vector<1xf32>
    %squeeze3A_56 = vector.extract %slice3A_55[0] : f32 from vector<1xf32>
    %slice3A_57 = vector.extract_strided_slice %get3A_42 {offsets = [8], sizes = [1], strides = [1]} : vector<16xf32> to vector<1xf32>
    %squeeze3A_58 = vector.extract %slice3A_57[0] : f32 from vector<1xf32>
    %slice3A_59 = vector.extract_strided_slice %get3A_42 {offsets = [9], sizes = [1], strides = [1]} : vector<16xf32> to vector<1xf32>
    %squeeze3A_60 = vector.extract %slice3A_59[0] : f32 from vector<1xf32>
    %slice3A_61 = vector.extract_strided_slice %get3A_42 {offsets = [10], sizes = [1], strides = [1]} : vector<16xf32> to vector<1xf32>
    %squeeze3A_62 = vector.extract %slice3A_61[0] : f32 from vector<1xf32>
    %slice3A_63 = vector.extract_strided_slice %get3A_42 {offsets = [11], sizes = [1], strides = [1]} : vector<16xf32> to vector<1xf32>
    %squeeze3A_64 = vector.extract %slice3A_63[0] : f32 from vector<1xf32>
    %slice3A_65 = vector.extract_strided_slice %get3A_42 {offsets = [12], sizes = [1], strides = [1]} : vector<16xf32> to vector<1xf32>
    %squeeze3A_66 = vector.extract %slice3A_65[0] : f32 from vector<1xf32>
    %dma_wait3A = arith.constant 0 : i32
    %dma_wait3A_67 = arith.constant 0 : i32
    %dma_wait3A_68 = tpu.memref_slice %arg6[%dma_wait3A_67] : memref<13312xf32, #tpu.memory_space<vmem>> -> memref<3584xf32, #tpu.memory_space<vmem>>
    %dma_wait3A_69 = arith.constant 0 : i32
    %dma_wait3A_70 = tpu.memref_slice %arg5[%dma_wait3A_69] : memref<19968xi32, #tpu.memory_space<vmem>> -> memref<3584xi32, #tpu.memory_space<vmem>>
    %dma_wait3A_71 = arith.constant 0 : i32
    %dma_wait3A_72 = tpu.memref_slice %arg2[%dma_wait3A, %dma_wait3A_71] : memref<1x1000000xf32, #tpu.memory_space<hbm>> -> memref<1x1000000xf32, #tpu.memory_space<hbm>>
    %dma_wait3A_73 = tpu.memref_squeeze %dma_wait3A_72 : memref<1x1000000xf32, #tpu.memory_space<hbm>> -> memref<1000000xf32, #tpu.memory_space<hbm>>
    %dma_wait3A_74 = arith.constant 0 : i32
    %dma_wait3A_75 = tpu.memref_slice %dma_wait3A_73[%dma_wait3A_74] : memref<1000000xf32, #tpu.memory_space<hbm>> -> memref<1000000xf32, #tpu.memory_space<hbm>>
    tpu.wait_indirect_dma semaphore(%arg9 : memref<!tpu.dma_semaphore, #tpu.memory_space<semaphore_mem>>) src(%dma_wait3A_75 : memref<1000000xf32, #tpu.memory_space<hbm>>) dst(%dma_wait3A_68 : memref<3584xf32, #tpu.memory_space<vmem>>)
    %scan3A = arith.constant 0 : i32
    %scan3A_76 = arith.constant 0 : i32
    %scan3A_77 = arith.constant 32 : i32
    %scan3A_78 = arith.addi %scan3A_76, %scan3A_77 : i32
    %scan3A_79 = arith.constant 1 : i32
    scf.for %scan3A_129 = %scan3A_76 to %scan3A_78 step %scan3A_79  : i32 {
      %mul3A_130 = arith.constant 16 : i32
      %mul3A_131 = arith.muli %scan3A_129, %mul3A_130 : i32
      %add3A_132 = arith.constant 13312 : i32
      %add3A_133 = arith.addi %add3A_132, %mul3A_131 : i32
      %get3A_134 = arith.index_cast %add3A_133 : i32 to index
      %get3A_135 = tpu.vector_load %arg5[%get3A_134] {strides = array<i32>} : memref<19968xi32, #tpu.memory_space<vmem>>, vector<16xi32>,
      %bitcast3A = vector.bitcast %get3A_135 : vector<16xi32> to vector<16xf32>
      %mul3A_136 = vector.broadcast %squeeze3A : f32 to vector<16xf32>
      %mul3A_137 = arith.mulf %bitcast3A, %mul3A_136 : vector<16xf32>
      %add3A_138 = arith.constant 13824 : i32
      %add3A_139 = arith.addi %add3A_138, %mul3A_131 : i32
      %get3A_140 = arith.index_cast %add3A_139 : i32 to index
      %get3A_141 = tpu.vector_load %arg5[%get3A_140] {strides = array<i32>} : memref<19968xi32, #tpu.memory_space<vmem>>, vector<16xi32>,
      %bitcast3A_142 = vector.bitcast %get3A_141 : vector<16xi32> to vector<16xf32>
      %mul3A_143 = vector.broadcast %squeeze3A_44 : f32 to vector<16xf32>
      %mul3A_144 = arith.mulf %bitcast3A_142, %mul3A_143 : vector<16xf32>
      %add3A_145 = arith.addf %mul3A_137, %mul3A_144 : vector<16xf32>
      %add3A_146 = arith.constant 14336 : i32
      %add3A_147 = arith.addi %add3A_146, %mul3A_131 : i32
      %get3A_148 = arith.index_cast %add3A_147 : i32 to index
      %get3A_149 = tpu.vector_load %arg5[%get3A_148] {strides = array<i32>} : memref<19968xi32, #tpu.memory_space<vmem>>, vector<16xi32>,
      %bitcast3A_150 = vector.bitcast %get3A_149 : vector<16xi32> to vector<16xf32>
      %mul3A_151 = vector.broadcast %squeeze3A_46 : f32 to vector<16xf32>
      %mul3A_152 = arith.mulf %bitcast3A_150, %mul3A_151 : vector<16xf32>
      %add3A_153 = arith.addf %add3A_145, %mul3A_152 : vector<16xf32>
      %add3A_154 = arith.constant 14848 : i32
      %add3A_155 = arith.addi %add3A_154, %mul3A_131 : i32
      %get3A_156 = arith.index_cast %add3A_155 : i32 to index
      %get3A_157 = tpu.vector_load %arg5[%get3A_156] {strides = array<i32>} : memref<19968xi32, #tpu.memory_space<vmem>>, vector<16xi32>,
      %bitcast3A_158 = vector.bitcast %get3A_157 : vector<16xi32> to vector<16xf32>
      %mul3A_159 = vector.broadcast %squeeze3A_48 : f32 to vector<16xf32>
      %mul3A_160 = arith.mulf %bitcast3A_158, %mul3A_159 : vector<16xf32>
      %add3A_161 = arith.addf %add3A_153, %mul3A_160 : vector<16xf32>
      %add3A_162 = arith.constant 15360 : i32
      %add3A_163 = arith.addi %add3A_162, %mul3A_131 : i32
      %get3A_164 = arith.index_cast %add3A_163 : i32 to index
      %get3A_165 = tpu.vector_load %arg5[%get3A_164] {strides = array<i32>} : memref<19968xi32, #tpu.memory_space<vmem>>, vector<16xi32>,
      %bitcast3A_166 = vector.bitcast %get3A_165 : vector<16xi32> to vector<16xf32>
      %mul3A_167 = vector.broadcast %squeeze3A_50 : f32 to vector<16xf32>
      %mul3A_168 = arith.mulf %bitcast3A_166, %mul3A_167 : vector<16xf32>
      %add3A_169 = arith.addf %add3A_161, %mul3A_168 : vector<16xf32>
      %add3A_170 = arith.constant 15872 : i32
      %add3A_171 = arith.addi %add3A_170, %mul3A_131 : i32
      %get3A_172 = arith.index_cast %add3A_171 : i32 to index
      %get3A_173 = tpu.vector_load %arg5[%get3A_172] {strides = array<i32>} : memref<19968xi32, #tpu.memory_space<vmem>>, vector<16xi32>,
      %bitcast3A_174 = vector.bitcast %get3A_173 : vector<16xi32> to vector<16xf32>
      %mul3A_175 = vector.broadcast %squeeze3A_52 : f32 to vector<16xf32>
      %mul3A_176 = arith.mulf %bitcast3A_174, %mul3A_175 : vector<16xf32>
      %add3A_177 = arith.addf %add3A_169, %mul3A_176 : vector<16xf32>
      %add3A_178 = arith.constant 16384 : i32
      %add3A_179 = arith.addi %add3A_178, %mul3A_131 : i32
      %get3A_180 = arith.index_cast %add3A_179 : i32 to index
      %get3A_181 = tpu.vector_load %arg5[%get3A_180] {strides = array<i32>} : memref<19968xi32, #tpu.memory_space<vmem>>, vector<16xi32>,
      %bitcast3A_182 = vector.bitcast %get3A_181 : vector<16xi32> to vector<16xf32>
      %mul3A_183 = vector.broadcast %squeeze3A_54 : f32 to vector<16xf32>
      %mul3A_184 = arith.mulf %bitcast3A_182, %mul3A_183 : vector<16xf32>
      %add3A_185 = arith.addf %add3A_177, %mul3A_184 : vector<16xf32>
      %add3A_186 = arith.constant 16896 : i32
      %add3A_187 = arith.addi %add3A_186, %mul3A_131 : i32
      %get3A_188 = arith.index_cast %add3A_187 : i32 to index
      %get3A_189 = tpu.vector_load %arg5[%get3A_188] {strides = array<i32>} : memref<19968xi32, #tpu.memory_space<vmem>>, vector<16xi32>,
      %bitcast3A_190 = vector.bitcast %get3A_189 : vector<16xi32> to vector<16xf32>
      %mul3A_191 = vector.broadcast %squeeze3A_56 : f32 to vector<16xf32>
      %mul3A_192 = arith.mulf %bitcast3A_190, %mul3A_191 : vector<16xf32>
      %add3A_193 = arith.addf %add3A_185, %mul3A_192 : vector<16xf32>
      %add3A_194 = arith.constant 17408 : i32
      %add3A_195 = arith.addi %add3A_194, %mul3A_131 : i32
      %get3A_196 = arith.index_cast %add3A_195 : i32 to index
      %get3A_197 = tpu.vector_load %arg5[%get3A_196] {strides = array<i32>} : memref<19968xi32, #tpu.memory_space<vmem>>, vector<16xi32>,
      %bitcast3A_198 = vector.bitcast %get3A_197 : vector<16xi32> to vector<16xf32>
      %mul3A_199 = vector.broadcast %squeeze3A_58 : f32 to vector<16xf32>
      %mul3A_200 = arith.mulf %bitcast3A_198, %mul3A_199 : vector<16xf32>
      %add3A_201 = arith.addf %add3A_193, %mul3A_200 : vector<16xf32>
      %add3A_202 = arith.constant 17920 : i32
      %add3A_203 = arith.addi %add3A_202, %mul3A_131 : i32
      %get3A_204 = arith.index_cast %add3A_203 : i32 to index
      %get3A_205 = tpu.vector_load %arg5[%get3A_204] {strides = array<i32>} : memref<19968xi32, #tpu.memory_space<vmem>>, vector<16xi32>,
      %bitcast3A_206 = vector.bitcast %get3A_205 : vector<16xi32> to vector<16xf32>
      %mul3A_207 = vector.broadcast %squeeze3A_60 : f32 to vector<16xf32>
      %mul3A_208 = arith.mulf %bitcast3A_206, %mul3A_207 : vector<16xf32>
      %add3A_209 = arith.addf %add3A_201, %mul3A_208 : vector<16xf32>
      %add3A_210 = arith.constant 18432 : i32
      %add3A_211 = arith.addi %add3A_210, %mul3A_131 : i32
      %get3A_212 = arith.index_cast %add3A_211 : i32 to index
      %get3A_213 = tpu.vector_load %arg5[%get3A_212] {strides = array<i32>} : memref<19968xi32, #tpu.memory_space<vmem>>, vector<16xi32>,
      %bitcast3A_214 = vector.bitcast %get3A_213 : vector<16xi32> to vector<16xf32>
      %mul3A_215 = vector.broadcast %squeeze3A_62 : f32 to vector<16xf32>
      %mul3A_216 = arith.mulf %bitcast3A_214, %mul3A_215 : vector<16xf32>
      %add3A_217 = arith.addf %add3A_209, %mul3A_216 : vector<16xf32>
      %add3A_218 = arith.constant 18944 : i32
      %add3A_219 = arith.addi %add3A_218, %mul3A_131 : i32
      %get3A_220 = arith.index_cast %add3A_219 : i32 to index
      %get3A_221 = tpu.vector_load %arg5[%get3A_220] {strides = array<i32>} : memref<19968xi32, #tpu.memory_space<vmem>>, vector<16xi32>,
      %bitcast3A_222 = vector.bitcast %get3A_221 : vector<16xi32> to vector<16xf32>
      %mul3A_223 = vector.broadcast %squeeze3A_64 : f32 to vector<16xf32>
      %mul3A_224 = arith.mulf %bitcast3A_222, %mul3A_223 : vector<16xf32>
      %add3A_225 = arith.addf %add3A_217, %mul3A_224 : vector<16xf32>
      %add3A_226 = arith.constant 19456 : i32
      %add3A_227 = arith.addi %add3A_226, %mul3A_131 : i32
      %get3A_228 = arith.index_cast %add3A_227 : i32 to index
      %get3A_229 = tpu.vector_load %arg5[%get3A_228] {strides = array<i32>} : memref<19968xi32, #tpu.memory_space<vmem>>, vector<16xi32>,
      %bitcast3A_230 = vector.bitcast %get3A_229 : vector<16xi32> to vector<16xf32>
      %mul3A_231 = vector.broadcast %squeeze3A_66 : f32 to vector<16xf32>
      %mul3A_232 = arith.mulf %bitcast3A_230, %mul3A_231 : vector<16xf32>
      %add3A_233 = arith.addf %add3A_225, %mul3A_232 : vector<16xf32>
      %add3A_234 = arith.constant 0 : i32
      %add3A_235 = arith.addi %add3A_234, %mul3A_131 : i32
      %get3A_236 = arith.index_cast %add3A_235 : i32 to index
      %get3A_237 = tpu.vector_load %arg6[%get3A_236] {strides = array<i32>} : memref<13312xf32, #tpu.memory_space<vmem>>, vector<16xf32>,
      %add3A_238 = arith.addf %add3A_233, %get3A_237 : vector<16xf32>
      %add3A_239 = arith.constant 512 : i32
      %add3A_240 = arith.addi %add3A_239, %mul3A_131 : i32
      %get3A_241 = arith.index_cast %add3A_240 : i32 to index
      %get3A_242 = tpu.vector_load %arg6[%get3A_241] {strides = array<i32>} : memref<13312xf32, #tpu.memory_space<vmem>>, vector<16xf32>,
      %add3A_243 = arith.addf %add3A_238, %get3A_242 : vector<16xf32>
      %add3A_244 = arith.constant 1024 : i32
      %add3A_245 = arith.addi %add3A_244, %mul3A_131 : i32
      %get3A_246 = arith.index_cast %add3A_245 : i32 to index
      %get3A_247 = tpu.vector_load %arg6[%get3A_246] {strides = array<i32>} : memref<13312xf32, #tpu.memory_space<vmem>>, vector<16xf32>,
      %add3A_248 = arith.addf %add3A_243, %get3A_247 : vector<16xf32>
      %add3A_249 = arith.constant 1536 : i32
      %add3A_250 = arith.addi %add3A_249, %mul3A_131 : i32
      %get3A_251 = arith.index_cast %add3A_250 : i32 to index
      %get3A_252 = tpu.vector_load %arg6[%get3A_251] {strides = array<i32>} : memref<13312xf32, #tpu.memory_space<vmem>>, vector<16xf32>,
      %add3A_253 = arith.addf %add3A_248, %get3A_252 : vector<16xf32>
      %add3A_254 = arith.constant 2048 : i32
      %add3A_255 = arith.addi %add3A_254, %mul3A_131 : i32
      %get3A_256 = arith.index_cast %add3A_255 : i32 to index
      %get3A_257 = tpu.vector_load %arg6[%get3A_256] {strides = array<i32>} : memref<13312xf32, #tpu.memory_space<vmem>>, vector<16xf32>,
      %add3A_258 = arith.addf %add3A_253, %get3A_257 : vector<16xf32>
      %add3A_259 = arith.constant 2560 : i32
      %add3A_260 = arith.addi %add3A_259, %mul3A_131 : i32
      %get3A_261 = arith.index_cast %add3A_260 : i32 to index
      %get3A_262 = tpu.vector_load %arg6[%get3A_261] {strides = array<i32>} : memref<13312xf32, #tpu.memory_space<vmem>>, vector<16xf32>,
      %add3A_263 = arith.addf %add3A_258, %get3A_262 : vector<16xf32>
      %add3A_264 = arith.constant 3072 : i32
      %add3A_265 = arith.addi %add3A_264, %mul3A_131 : i32
      %get3A_266 = arith.index_cast %add3A_265 : i32 to index
      %get3A_267 = tpu.vector_load %arg6[%get3A_266] {strides = array<i32>} : memref<13312xf32, #tpu.memory_space<vmem>>, vector<16xf32>,
      %add3A_268 = arith.addf %add3A_263, %get3A_267 : vector<16xf32>
      %swap3A = arith.index_cast %mul3A_131 : i32 to index
      %swap3A_269 = tpu.vector_load %arg8[%swap3A] {strides = array<i32>} : memref<512xf32, #tpu.memory_space<vmem>>, vector<16xf32>,
      tpu.vector_store %arg8[%swap3A], %add3A_268 {strides = array<i32>} : memref<512xf32, #tpu.memory_space<vmem>>, vector<16xf32>,
    }
    %scan3A_80 = arith.constant 32 : i32
    %dma_wait3A_81 = arith.constant 0 : i32
    %dma_wait3A_82 = arith.constant 3584 : i32
    %dma_wait3A_83 = tpu.memref_slice %arg6[%dma_wait3A_82] : memref<13312xf32, #tpu.memory_space<vmem>> -> memref<3584xf32, #tpu.memory_space<vmem>>
    %dma_wait3A_84 = arith.constant 3584 : i32
    %dma_wait3A_85 = tpu.memref_slice %arg5[%dma_wait3A_84] : memref<19968xi32, #tpu.memory_space<vmem>> -> memref<3584xi32, #tpu.memory_space<vmem>>
    %dma_wait3A_86 = arith.constant 0 : i32
    %dma_wait3A_87 = tpu.memref_slice %arg2[%dma_wait3A_81, %dma_wait3A_86] : memref<1x1000000xf32, #tpu.memory_space<hbm>> -> memref<1x1000000xf32, #tpu.memory_space<hbm>>
    %dma_wait3A_88 = tpu.memref_squeeze %dma_wait3A_87 : memref<1x1000000xf32, #tpu.memory_space<hbm>> -> memref<1000000xf32, #tpu.memory_space<hbm>>
    %dma_wait3A_89 = arith.constant 0 : i32
    %dma_wait3A_90 = tpu.memref_slice %dma_wait3A_88[%dma_wait3A_89] : memref<1000000xf32, #tpu.memory_space<hbm>> -> memref<1000000xf32, #tpu.memory_space<hbm>>
    tpu.wait_indirect_dma semaphore(%arg10 : memref<!tpu.dma_semaphore, #tpu.memory_space<semaphore_mem>>) src(%dma_wait3A_90 : memref<1000000xf32, #tpu.memory_space<hbm>>) dst(%dma_wait3A_83 : memref<3584xf32, #tpu.memory_space<vmem>>)
    %scan3A_91 = arith.constant 0 : i32
    %scan3A_92 = arith.constant 0 : i32
    %scan3A_93 = arith.constant 32 : i32
    %scan3A_94 = arith.addi %scan3A_92, %scan3A_93 : i32
    %scan3A_95 = arith.constant 1 : i32
    scf.for %scan3A_129 = %scan3A_92 to %scan3A_94 step %scan3A_95  : i32 {
      %mul3A_130 = arith.constant 16 : i32
      %mul3A_131 = arith.muli %scan3A_129, %mul3A_130 : i32
      %get3A_132 = arith.index_cast %mul3A_131 : i32 to index
      %get3A_133 = tpu.vector_load %arg8[%get3A_132] {strides = array<i32>} : memref<512xf32, #tpu.memory_space<vmem>>, vector<16xf32>,
      %add3A_134 = arith.constant 3584 : i32
      %add3A_135 = arith.addi %add3A_134, %mul3A_131 : i32
      %get3A_136 = arith.index_cast %add3A_135 : i32 to index
      %get3A_137 = tpu.vector_load %arg6[%get3A_136] {strides = array<i32>} : memref<13312xf32, #tpu.memory_space<vmem>>, vector<16xf32>,
      %add3A_138 = arith.addf %get3A_133, %get3A_137 : vector<16xf32>
      %add3A_139 = arith.constant 4096 : i32
      %add3A_140 = arith.addi %add3A_139, %mul3A_131 : i32
      %get3A_141 = arith.index_cast %add3A_140 : i32 to index
      %get3A_142 = tpu.vector_load %arg6[%get3A_141] {strides = array<i32>} : memref<13312xf32, #tpu.memory_space<vmem>>, vector<16xf32>,
      %add3A_143 = arith.addf %add3A_138, %get3A_142 : vector<16xf32>
      %add3A_144 = arith.constant 4608 : i32
      %add3A_145 = arith.addi %add3A_144, %mul3A_131 : i32
      %get3A_146 = arith.index_cast %add3A_145 : i32 to index
      %get3A_147 = tpu.vector_load %arg6[%get3A_146] {strides = array<i32>} : memref<13312xf32, #tpu.memory_space<vmem>>, vector<16xf32>,
      %add3A_148 = arith.addf %add3A_143, %get3A_147 : vector<16xf32>
      %add3A_149 = arith.constant 5120 : i32
      %add3A_150 = arith.addi %add3A_149, %mul3A_131 : i32
      %get3A_151 = arith.index_cast %add3A_150 : i32 to index
      %get3A_152 = tpu.vector_load %arg6[%get3A_151] {strides = array<i32>} : memref<13312xf32, #tpu.memory_space<vmem>>, vector<16xf32>,
      %add3A_153 = arith.addf %add3A_148, %get3A_152 : vector<16xf32>
      %add3A_154 = arith.constant 5632 : i32
      %add3A_155 = arith.addi %add3A_154, %mul3A_131 : i32
      %get3A_156 = arith.index_cast %add3A_155 : i32 to index
      %get3A_157 = tpu.vector_load %arg6[%get3A_156] {strides = array<i32>} : memref<13312xf32, #tpu.memory_space<vmem>>, vector<16xf32>,
      %add3A_158 = arith.addf %add3A_153, %get3A_157 : vector<16xf32>
      %add3A_159 = arith.constant 6144 : i32
      %add3A_160 = arith.addi %add3A_159, %mul3A_131 : i32
      %get3A_161 = arith.index_cast %add3A_160 : i32 to index
      %get3A_162 = tpu.vector_load %arg6[%get3A_161] {strides = array<i32>} : memref<13312xf32, #tpu.memory_space<vmem>>, vector<16xf32>,
      %add3A_163 = arith.addf %add3A_158, %get3A_162 : vector<16xf32>
      %add3A_164 = arith.constant 6656 : i32
      %add3A_165 = arith.addi %add3A_164, %mul3A_131 : i32
      %get3A_166 = arith.index_cast %add3A_165 : i32 to index
      %get3A_167 = tpu.vector_load %arg6[%get3A_166] {strides = array<i32>} : memref<13312xf32, #tpu.memory_space<vmem>>, vector<16xf32>,
      %add3A_168 = arith.addf %add3A_163, %get3A_167 : vector<16xf32>
      %swap3A = arith.index_cast %mul3A_131 : i32 to index
      %swap3A_169 = tpu.vector_load %arg8[%swap3A] {strides = array<i32>} : memref<512xf32, #tpu.memory_space<vmem>>, vector<16xf32>,
      tpu.vector_store %arg8[%swap3A], %add3A_168 {strides = array<i32>} : memref<512xf32, #tpu.memory_space<vmem>>, vector<16xf32>,
    }
    %scan3A_96 = arith.constant 32 : i32
    %dma_wait3A_97 = arith.constant 0 : i32
    %dma_wait3A_98 = arith.constant 7168 : i32
    %dma_wait3A_99 = tpu.memref_slice %arg6[%dma_wait3A_98] : memref<13312xf32, #tpu.memory_space<vmem>> -> memref<3072xf32, #tpu.memory_space<vmem>>
    %dma_wait3A_100 = arith.constant 7168 : i32
    %dma_wait3A_101 = tpu.memref_slice %arg5[%dma_wait3A_100] : memref<19968xi32, #tpu.memory_space<vmem>> -> memref<3072xi32, #tpu.memory_space<vmem>>
    %dma_wait3A_102 = arith.constant 0 : i32
    %dma_wait3A_103 = tpu.memref_slice %arg2[%dma_wait3A_97, %dma_wait3A_102] : memref<1x1000000xf32, #tpu.memory_space<hbm>> -> memref<1x1000000xf32, #tpu.memory_space<hbm>>
    %dma_wait3A_104 = tpu.memref_squeeze %dma_wait3A_103 : memref<1x1000000xf32, #tpu.memory_space<hbm>> -> memref<1000000xf32, #tpu.memory_space<hbm>>
    %dma_wait3A_105 = arith.constant 0 : i32
    %dma_wait3A_106 = tpu.memref_slice %dma_wait3A_104[%dma_wait3A_105] : memref<1000000xf32, #tpu.memory_space<hbm>> -> memref<1000000xf32, #tpu.memory_space<hbm>>
    tpu.wait_indirect_dma semaphore(%arg11 : memref<!tpu.dma_semaphore, #tpu.memory_space<semaphore_mem>>) src(%dma_wait3A_106 : memref<1000000xf32, #tpu.memory_space<hbm>>) dst(%dma_wait3A_99 : memref<3072xf32, #tpu.memory_space<vmem>>)
    %scan3A_107 = arith.constant 0 : i32
    %scan3A_108 = arith.constant 0 : i32
    %scan3A_109 = arith.constant 32 : i32
    %scan3A_110 = arith.addi %scan3A_108, %scan3A_109 : i32
    %scan3A_111 = arith.constant 1 : i32
    scf.for %scan3A_129 = %scan3A_108 to %scan3A_110 step %scan3A_111  : i32 {
      %mul3A_130 = arith.constant 16 : i32
      %mul3A_131 = arith.muli %scan3A_129, %mul3A_130 : i32
      %get3A_132 = arith.index_cast %mul3A_131 : i32 to index
      %get3A_133 = tpu.vector_load %arg8[%get3A_132] {strides = array<i32>} : memref<512xf32, #tpu.memory_space<vmem>>, vector<16xf32>,
      %add3A_134 = arith.constant 7168 : i32
      %add3A_135 = arith.addi %add3A_134, %mul3A_131 : i32
      %get3A_136 = arith.index_cast %add3A_135 : i32 to index
      %get3A_137 = tpu.vector_load %arg6[%get3A_136] {strides = array<i32>} : memref<13312xf32, #tpu.memory_space<vmem>>, vector<16xf32>,
      %add3A_138 = arith.addf %get3A_133, %get3A_137 : vector<16xf32>
      %add3A_139 = arith.constant 7680 : i32
      %add3A_140 = arith.addi %add3A_139, %mul3A_131 : i32
      %get3A_141 = arith.index_cast %add3A_140 : i32 to index
      %get3A_142 = tpu.vector_load %arg6[%get3A_141] {strides = array<i32>} : memref<13312xf32, #tpu.memory_space<vmem>>, vector<16xf32>,
      %add3A_143 = arith.addf %add3A_138, %get3A_142 : vector<16xf32>
      %add3A_144 = arith.constant 8192 : i32
      %add3A_145 = arith.addi %add3A_144, %mul3A_131 : i32
      %get3A_146 = arith.index_cast %add3A_145 : i32 to index
      %get3A_147 = tpu.vector_load %arg6[%get3A_146] {strides = array<i32>} : memref<13312xf32, #tpu.memory_space<vmem>>, vector<16xf32>,
      %add3A_148 = arith.addf %add3A_143, %get3A_147 : vector<16xf32>
      %add3A_149 = arith.constant 8704 : i32
      %add3A_150 = arith.addi %add3A_149, %mul3A_131 : i32
      %get3A_151 = arith.index_cast %add3A_150 : i32 to index
      %get3A_152 = tpu.vector_load %arg6[%get3A_151] {strides = array<i32>} : memref<13312xf32, #tpu.memory_space<vmem>>, vector<16xf32>,
      %add3A_153 = arith.addf %add3A_148, %get3A_152 : vector<16xf32>
      %add3A_154 = arith.constant 9216 : i32
      %add3A_155 = arith.addi %add3A_154, %mul3A_131 : i32
      %get3A_156 = arith.index_cast %add3A_155 : i32 to index
      %get3A_157 = tpu.vector_load %arg6[%get3A_156] {strides = array<i32>} : memref<13312xf32, #tpu.memory_space<vmem>>, vector<16xf32>,
      %add3A_158 = arith.addf %add3A_153, %get3A_157 : vector<16xf32>
      %add3A_159 = arith.constant 9728 : i32
      %add3A_160 = arith.addi %add3A_159, %mul3A_131 : i32
      %get3A_161 = arith.index_cast %add3A_160 : i32 to index
      %get3A_162 = tpu.vector_load %arg6[%get3A_161] {strides = array<i32>} : memref<13312xf32, #tpu.memory_space<vmem>>, vector<16xf32>,
      %add3A_163 = arith.addf %add3A_158, %get3A_162 : vector<16xf32>
      %swap3A = arith.index_cast %mul3A_131 : i32 to index
      %swap3A_164 = tpu.vector_load %arg8[%swap3A] {strides = array<i32>} : memref<512xf32, #tpu.memory_space<vmem>>, vector<16xf32>,
      tpu.vector_store %arg8[%swap3A], %add3A_163 {strides = array<i32>} : memref<512xf32, #tpu.memory_space<vmem>>, vector<16xf32>,
    }
    %scan3A_112 = arith.constant 32 : i32
    %dma_wait3A_113 = arith.constant 0 : i32
    %dma_wait3A_114 = arith.constant 10240 : i32
    %dma_wait3A_115 = tpu.memref_slice %arg6[%dma_wait3A_114] : memref<13312xf32, #tpu.memory_space<vmem>> -> memref<3072xf32, #tpu.memory_space<vmem>>
    %dma_wait3A_116 = arith.constant 10240 : i32
    %dma_wait3A_117 = tpu.memref_slice %arg5[%dma_wait3A_116] : memref<19968xi32, #tpu.memory_space<vmem>> -> memref<3072xi32, #tpu.memory_space<vmem>>
    %dma_wait3A_118 = arith.constant 0 : i32
    %dma_wait3A_119 = tpu.memref_slice %arg2[%dma_wait3A_113, %dma_wait3A_118] : memref<1x1000000xf32, #tpu.memory_space<hbm>> -> memref<1x1000000xf32, #tpu.memory_space<hbm>>
    %dma_wait3A_120 = tpu.memref_squeeze %dma_wait3A_119 : memref<1x1000000xf32, #tpu.memory_space<hbm>> -> memref<1000000xf32, #tpu.memory_space<hbm>>
    %dma_wait3A_121 = arith.constant 0 : i32
    %dma_wait3A_122 = tpu.memref_slice %dma_wait3A_120[%dma_wait3A_121] : memref<1000000xf32, #tpu.memory_space<hbm>> -> memref<1000000xf32, #tpu.memory_space<hbm>>
    tpu.wait_indirect_dma semaphore(%arg12 : memref<!tpu.dma_semaphore, #tpu.memory_space<semaphore_mem>>) src(%dma_wait3A_122 : memref<1000000xf32, #tpu.memory_space<hbm>>) dst(%dma_wait3A_115 : memref<3072xf32, #tpu.memory_space<vmem>>)
    %scan3A_123 = arith.constant 0 : i32
    %scan3A_124 = arith.constant 0 : i32
    %scan3A_125 = arith.constant 32 : i32
    %scan3A_126 = arith.addi %scan3A_124, %scan3A_125 : i32
    %scan3A_127 = arith.constant 1 : i32
    scf.for %scan3A_129 = %scan3A_124 to %scan3A_126 step %scan3A_127  : i32 {
      %mul3A_130 = arith.constant 16 : i32
      %mul3A_131 = arith.muli %scan3A_129, %mul3A_130 : i32
      %get3A_132 = arith.index_cast %mul3A_131 : i32 to index
      %get3A_133 = tpu.vector_load %arg8[%get3A_132] {strides = array<i32>} : memref<512xf32, #tpu.memory_space<vmem>>, vector<16xf32>,
      %add3A_134 = arith.constant 10240 : i32
      %add3A_135 = arith.addi %add3A_134, %mul3A_131 : i32
      %get3A_136 = arith.index_cast %add3A_135 : i32 to index
      %get3A_137 = tpu.vector_load %arg6[%get3A_136] {strides = array<i32>} : memref<13312xf32, #tpu.memory_space<vmem>>, vector<16xf32>,
      %add3A_138 = arith.addf %get3A_133, %get3A_137 : vector<16xf32>
      %add3A_139 = arith.constant 10752 : i32
      %add3A_140 = arith.addi %add3A_139, %mul3A_131 : i32
      %get3A_141 = arith.index_cast %add3A_140 : i32 to index
      %get3A_142 = tpu.vector_load %arg6[%get3A_141] {strides = array<i32>} : memref<13312xf32, #tpu.memory_space<vmem>>, vector<16xf32>,
      %add3A_143 = arith.addf %add3A_138, %get3A_142 : vector<16xf32>
      %add3A_144 = arith.constant 11264 : i32
      %add3A_145 = arith.addi %add3A_144, %mul3A_131 : i32
      %get3A_146 = arith.index_cast %add3A_145 : i32 to index
      %get3A_147 = tpu.vector_load %arg6[%get3A_146] {strides = array<i32>} : memref<13312xf32, #tpu.memory_space<vmem>>, vector<16xf32>,
      %add3A_148 = arith.addf %add3A_143, %get3A_147 : vector<16xf32>
      %add3A_149 = arith.constant 11776 : i32
      %add3A_150 = arith.addi %add3A_149, %mul3A_131 : i32
      %get3A_151 = arith.index_cast %add3A_150 : i32 to index
      %get3A_152 = tpu.vector_load %arg6[%get3A_151] {strides = array<i32>} : memref<13312xf32, #tpu.memory_space<vmem>>, vector<16xf32>,
      %add3A_153 = arith.addf %add3A_148, %get3A_152 : vector<16xf32>
      %add3A_154 = arith.constant 12288 : i32
      %add3A_155 = arith.addi %add3A_154, %mul3A_131 : i32
      %get3A_156 = arith.index_cast %add3A_155 : i32 to index
      %get3A_157 = tpu.vector_load %arg6[%get3A_156] {strides = array<i32>} : memref<13312xf32, #tpu.memory_space<vmem>>, vector<16xf32>,
      %add3A_158 = arith.addf %add3A_153, %get3A_157 : vector<16xf32>
      %add3A_159 = arith.constant 12800 : i32
      %add3A_160 = arith.addi %add3A_159, %mul3A_131 : i32
      %get3A_161 = arith.index_cast %add3A_160 : i32 to index
      %get3A_162 = tpu.vector_load %arg6[%get3A_161] {strides = array<i32>} : memref<13312xf32, #tpu.memory_space<vmem>>, vector<16xf32>,
      %add3A_163 = arith.addf %add3A_158, %get3A_162 : vector<16xf32>
      %neg3A = arith.constant 0.000000e+00 : f32
      %neg3A_164 = vector.broadcast %neg3A : f32 to vector<16xf32>
      %neg3A_165 = arith.subf %neg3A_164, %add3A_163 : vector<16xf32>
      %exp3A = math.exp %neg3A_165 : vector<16xf32>
      %add3A_166 = arith.constant 1.000000e+00 : f32
      %add3A_167 = vector.broadcast %add3A_166 : f32 to vector<16xf32>
      %add3A_168 = arith.addf %add3A_167, %exp3A : vector<16xf32>
      %div3A = arith.constant 1.000000e+00 : f32
      %div3A_169 = vector.broadcast %div3A : f32 to vector<16xf32>
      %div3A_170 = arith.divf %div3A_169, %add3A_168 : vector<16xf32>
      %swap3A = arith.index_cast %mul3A_131 : i32 to index
      %swap3A_171 = tpu.vector_load %arg8[%swap3A] {strides = array<i32>} : memref<512xf32, #tpu.memory_space<vmem>>, vector<16xf32>,
      tpu.vector_store %arg8[%swap3A], %div3A_170 {strides = array<i32>} : memref<512xf32, #tpu.memory_space<vmem>>, vector<16xf32>,
    }
    %scan3A_128 = arith.constant 32 : i32
    "tpu.region"() ({
      %run_scoped3A_129 = tpu.sem_alloc : memref<!tpu.dma_semaphore, #tpu.memory_space<semaphore_mem>>
      %dma_start3A_130 = tpu.memref_slice %arg4[%mul3A_2] : memref<16384xf32, #tpu.memory_space<hbm>> -> memref<512xf32, #tpu.memory_space<hbm>>
      %dma_start3A_131 = tpu.memref_slice %arg4[%mul3A_2] : memref<16384xf32, #tpu.memory_space<hbm>> -> memref<512xf32, #tpu.memory_space<hbm>>
      tpu.enqueue_dma source(%arg8 : memref<512xf32, #tpu.memory_space<vmem>>) target(%dma_start3A_131 : memref<512xf32, #tpu.memory_space<hbm>>) target_semaphore(%run_scoped3A_129 : memref<!tpu.dma_semaphore, #tpu.memory_space<semaphore_mem>>)
      %dma_wait3A_132 = tpu.memref_slice %arg4[%mul3A_2] : memref<16384xf32, #tpu.memory_space<hbm>> -> memref<512xf32, #tpu.memory_space<hbm>>
      %dma_wait3A_133 = tpu.memref_slice %arg4[%mul3A_2] : memref<16384xf32, #tpu.memory_space<hbm>> -> memref<512xf32, #tpu.memory_space<hbm>>
      tpu.wait_dma2 semaphore(%run_scoped3A_129 : memref<!tpu.dma_semaphore, #tpu.memory_space<semaphore_mem>>) src(%arg8 : memref<512xf32, #tpu.memory_space<vmem>>) dst(%dma_wait3A_133 : memref<512xf32, #tpu.memory_space<hbm>>)
      tpu.yield
    }) : () -> ()
    return
  }
}

</mosaic_0001>

<sc_bundles>
// kernel: kernel.3.cloned.1.call-start
scs
__scs_entry_jumppad:
0x0: {  	(pc) =	sbr.rel $0x88, $3  }
0x1: {  	(tag) =	ssettag $0x0;
	lr =	simm.s32 $0x1  }
0x2: {  	[smem:$0x3F9E] =	sst lr;
	_ =	strace $0xD0000000  }
0x3: {  	_ = 	snop  }
0x4: {  	_ = 	snop  }
0x5: {  	_ = 	snop  }
0x6: {  	_ = 	snop  }
0x7: {  	_ = 	snop  }
__scs_overlays_trampoline_lowered:
0x8: {  	[smem:$0x3FAD] =	sst s0  }
0x9: {  	[smem:$0x3FAE] =	sst s1  }
0xa: {  	[smem:$0x3FAF] =	sst s2  }
0xb: {  	[smem:$0x3FB0] =	sst s3  }
0xc: {  	[smem:$0x3FB1] =	sst s4  }
0xd: {  	[smem:$0x3FB2] =	sst s5  }
0xe: {  	[smem:$0x3FB3] =	sst s6  }
0xf: {  	[smem:$0x3FB4] =	sst s7  }
0x10: {  	[smem:$0x3FB5] =	sst s8  }
0x11: {  	[smem:$0x3FB6] =	sst s9;
	s0 =	simm.s32 @!p0 $0x0  }
0x12: {  	s1 =	sld [smem:$0x3F9C];
	s0 =	simm.s32 @p0 $0x1  }
0x13: {  	[smem:$0x3FB7] =	sst s0;
	s0 =	simm.s32 @!p1 $0x0  }
0x14: {  	s2 =	sld [smem:$0x3F9B];
	s0 =	simm.s32 @p1 $0x1  }
0x15: {  	[smem:$0x3FB8] =	sst s0;
	s0 =	simm.s32 @!p2 $0x0  }
0x16: {  	s3 =	sld [smem:$0x3FDB];
	s0 =	simm.s32 @p2 $0x1  }
0x17: {  	s4 =	simm.s32 $0x1BF5;
	[smem:$0x3FBA] =	sst s0  }
0x18: {  	s0 =	sld [smem:$0x3F9D];
	_ =	swait.ge [sflag:s4], $0x0  }
0x19: {  	s7 =	sld [smem:$0x3F9E]  }
0x1a: {  	s8 =	sadd.s32 $0xFFFFE003, lr  }
0x1b: {  	s9 =	sadd.s32 $0xFFFFFEF7, lr;
	s5 =	simm.s32 $0xFFFFFFFF;
	p2 =	slt.u32 s8, $0xFFFFF086  }
0x1c: {  	p1 =	slt.u32 s9, $0xF7A;
	s5 =	simm.s32 @!p2 $0x0  }
0x1d: {  	s5 =	simm.s32 @p1 $0x1;
	p0 =	seq.s32 s7, s2  }
0x1e: {  	s7 =	smul.u32 @!p0 $0xF7A, s2;
	p2 =	seq.s32 @!p0 s5, $0x0  }
0x1f: {  	s9 =	smul.u32 $0xF7A, s1;
	s8 =	simm.s32 @!p0 $0x1BF5;
	p2 =	por !p2, p0  }
0x20: {  	[sflag:s8] =	ssyncset.s32 @!p0 $0xFFFFF086;
	s6 =	sadd.s32 @!p0 s3, s7;
	s7 =	simm.s32 @!p0 $0x108  }
0x21: {  	s3 =	sadd.s32 s3, s9;
	s6 =	sadd.s32 @!p0 $0x88, s6;
	s7 =	simm.s32 @p2 $0x1082  }
0x22: {  	[simem:s7], [sflag:s8] =	dma.local @!p0 [hbm:s6], $0xF7A  }
0x23: {  	s9 =	sor.u32 $0xD0000000, s2;
	s6 =	simm.s32 $0x108;
	_ =	swait.ge @!p0 [sflag:s8], $0x0  }
0x24: {  	s3 =	sadd.s32 $0x88, s3;
	s6 =	simm.s32 @!p1 $0x1082;
	[sflag:s4] =	ssyncset.s32 $0xFFFFF086  }
0x25: {  	[simem:s6], [sflag:s4] =	dma.local [hbm:s3], $0xF7A  }
0x26: {  	[smem:$0x3F9E] =	sst s1;
	(tag) =	ssettag s2;
	_ =	strace s9  }
0x27: {  	s1 =	sld [smem:$0x3FAE]  }
0x28: {  	s2 =	sld [smem:$0x3FAF]  }
0x29: {  	s4 =	sld [smem:$0x3FB1]  }
0x2a: {  	p0 =	seq.s32 s5, $0x0;
	s5 =	sld [smem:$0x3FB2]  }
0x2b: {  	s6 =	sld [smem:$0x3FB3]  }
0x2c: {  	s7 =	sld [smem:$0x3FB4]  }
0x2d: {  	s3 =	simm.s32 $0x108;
	s8 =	sld [smem:$0x3FB5]  }
0x2e: {  	s3 =	simm.s32 @!p0 $0x1082;
	s9 =	sld [smem:$0x3FB6]  }
0x2f: {  	lr =	sadd.s32 s0, s3;
	s0 =	sld [smem:$0x3FAD]  }
0x30: {  	s3 =	sld [smem:$0x3FB0]  }
0x31: {  	[smem:$0x3FB9] =	sst s10  }
0x32: {  	s10 =	sld [smem:$0x3FB7];
	_ =	sdelay $0x3  }
0x33: {  	p0 =	seq.s32 s10, $0x1;
	s10 =	sld [smem:$0x3FB9];
	_ =	sdelay $0x3  }
0x34: {  	[smem:$0x3FB9] =	sst s10  }
0x35: {  	s10 =	sld [smem:$0x3FB8];
	_ =	sdelay $0x3  }
0x36: {  	p1 =	seq.s32 s10, $0x1;
	s10 =	sld [smem:$0x3FB9];
	_ =	sdelay $0x3  }
0x37: {  	[smem:$0x3FB9] =	sst s10  }
0x38: {  	s10 =	sld [smem:$0x3FBA]  }
0x39: {  	_ = 	snop;
	(pc) =	sbr.ind lr, $3  }
0x3a: {  	_ = 	snop  }
0x3b: {  	_ = 	snop  }
0x3c: {  	p2 =	seq.s32 s10, $0x1;
	s10 =	sld [smem:$0x3FB9]  }
0x3d: {  	_ =	shalt  }
0x3e: {  	_ =	shalt  }
0x3f: {  	_ =	shalt  }
0x40: {  	_ =	shalt  }
0x41: {  	_ =	shalt  }
0x42: {  	_ =	shalt  }
0x43: {  	_ =	shalt  }
0x44: {  	_ =	shalt  }
0x45: {  	_ =	shalt  }
0x46: {  	_ =	shalt  }
0x47: {  	_ =	shalt  }
0x48: {  	_ =	shalt  }
0x49: {  	_ =	shalt  }
0x4a: {  	_ =	shalt  }
0x4b: {  	_ =	shalt  }
0x4c: {  	_ =	shalt  }
0x4d: {  	_ =	shalt  }
0x4e: {  	_ =	shalt  }
0x4f: {  	_ =	shalt  }
0x50: {  	_ =	shalt  }
0x51: {  	_ =	shalt  }
0x52: {  	_ =	shalt  }
0x53: {  	_ =	shalt  }
0x54: {  	_ =	shalt  }
0x55: {  	_ =	shalt  }
0x56: {  	_ =	shalt  }
0x57: {  	_ =	shalt  }
0x58: {  	_ =	shalt  }
0x59: {  	_ =	shalt  }
0x5a: {  	_ =	shalt  }
0x5b: {  	_ =	shalt  }
0x5c: {  	_ =	shalt  }
0x5d: {  	_ =	shalt  }
0x5e: {  	_ =	shalt  }
0x5f: {  	_ =	shalt  }
0x60: {  	_ =	shalt  }
0x61: {  	_ =	shalt  }
0x62: {  	_ =	shalt  }
0x63: {  	_ =	shalt  }
0x64: {  	_ =	shalt  }
0x65: {  	_ =	shalt  }
0x66: {  	_ =	shalt  }
0x67: {  	_ =	shalt  }
0x68: {  	_ =	shalt  }
0x69: {  	_ =	shalt  }
0x6a: {  	_ =	shalt  }
0x6b: {  	_ =	shalt  }
0x6c: {  	_ =	shalt  }
0x6d: {  	_ =	shalt  }
0x6e: {  	_ =	shalt  }
0x6f: {  	_ =	shalt  }
0x70: {  	_ =	shalt  }
0x71: {  	_ =	shalt  }
0x72: {  	_ =	shalt  }
0x73: {  	_ =	shalt  }
0x74: {  	_ =	shalt  }
0x75: {  	_ =	shalt  }
0x76: {  	_ =	shalt  }
0x77: {  	_ =	shalt  }
0x78: {  	_ =	shalt  }
0x79: {  	_ =	shalt  }
0x7a: {  	_ =	shalt  }
0x7b: {  	_ =	shalt  }
0x7c: {  	_ =	shalt  }
0x7d: {  	_ =	shalt  }
0x7e: {  	_ =	shalt  }
0x7f: {  	_ =	shalt  }
0x80: {  	_ =	shalt  }
0x81: {  	_ =	shalt  }
0x82: {  	_ =	shalt  }
0x83: {  	_ =	shalt  }
0x84: {  	_ =	shalt  }
0x85: {  	_ =	shalt  }
0x86: {  	_ =	shalt  }
0x87: {  	_ =	shalt  }
.Lfunc_end0:
.L_simem_size_0:
called_computation_lowered:
.L_overlay_start_0:
0x88: {  	s2 =	sld [smem:$0x3FD9]  }
0x89: {  	s3 =	sld [smem:$0x3FFE];
	_ =	sdelay $0x1  }
0x8a: {  	s1 =	srdreg.scid  }
0x8b: {  	s0 =	sand.u32 $0x1, s1  }
0x8c: {  	s17 =	sshll.u32 s0, $0xA;
	s2 =	sadd.s32 s3, s2  }
0x8d: {  	s2 =	sadd.s32 s2, s17  }
0x8e: {  	[smem:$0x3FC5] =	sst s2  }
0x8f: {  	_ = 	snop  }
0x90: {  	s2 =	sld [smem:$0x3FC7]  }
0x91: {  	s18 =	sld [smem:$0x3FD0];
	(tm) =	ssettm $0x1  }
0x92: {  	s4 =	sld [smem:$0x3FFB];
	_ =	sdelay $0x3  }
0x93: {  	_ =	strace s4  }
0x94: {  	s4 =	sld [smem:$0x3FFC];
	_ =	sdelay $0x3  }
0x95: {  	_ =	strace s4  }
0x96: {  	s4 =	sld [smem:$0x3FFD];
	_ =	sdelay $0x3  }
0x97: {  	_ =	strace s4  }
0x98: {  	_ =	strace $0x8FFFFFFF  }
0x99: {  	s19 =	sld [smem:$0x3FDB];
	_ =	sdelay $0x1  }
0x9a: {  	s5 =	simm.s32 $_scs_section_size  }
0x9b: {  	s6 =	simm.s32 $_size__tile_overlayer_lowered;
	s7 =	simm.s32 $_tile_overlayer_lowered  }
0x9c: {  	s22 =	simm.s32 $0x1BFF;
	s21 =	sshll.u32 s7, $0x1;
	s4 =	sadd.s32 s5, s19  }
0x9d: {  	s8 =	simm.s32 $0x0;
	s20 =	sshll.u32 s6, $0x1;
	s6 =	sadd.s32 s21, s4  }
0x9e: {  	[timem:s8], [sflag:s22] =	dma.local [hbm:s6], s20  }
0x9f: {  	_ =	swait.ge [sflag:s22], s20  }
0xa0: {  	s5 =	ssub.s32 $0x0, s20;
	[sflag:s22] =	ssyncset.done $0x0  }
0xa1: {  	[sflag:s22] =	ssyncadd.s32 s5;
	_ =	sdelay $0x1  }
0xa2: {  	s23 =	simm.s32 $0x1B8B  }
0xa3: {  	_ =	swait.ge [sflag:s23], $0x1  }
0xa4: {  	[sflag:s23] =	ssyncset.done $0x0  }
0xa5: {  	s25 =	simm.s32 $0x1B8E;
	s24 =	sld [smem:$0x3FFE];
	[sflag:s23] =	ssyncadd.s32 $0xFFFFFFFF  }
0xa6: {  	s26 =	simm.s32 $execute0_lowered;
	[smem:$0x3FD2] =	sst s25  }
0xa7: {  	s6 =	sshll.u32 s26, $0x1;
	_ =	strace $0x80000046;
	[dreg:$0x1] =	wrdreg $0xFFFFFFFF  }
0xa8: {  	s28 =	simm.s32 $_size_execute0_lowered;
	s4 =	sadd.s32 s4, s6;
	[dreg:$0x0] =	wrdreg $0x0  }
0xa9: {  	s6 =	sshll.u32 s28, $0x1;
	[dreg:$0x2] =	wrdreg s4  }
0xaa: {  	[dreg:$0x3] =	wrdreg s6  }
0xab: {  	[dreg:$0x4] =	wrdreg $0xC0  }
0xac: {  	_ =	task [dreg:s8], $0x5FFFF  }
0xad: {  	[dreg:$0x1] =	wrdreg $0xFFFFFFFF  }
0xae: {  	[dreg:$0x0] =	wrdreg $0x60  }
0xaf: {  	[dreg:$0x2] =	wrdreg s2  }
0xb0: {  	[dreg:$0x3] =	wrdreg s24  }
0xb1: {  	[dreg:$0x4] =	wrdreg s18  }
0xb2: {  	[dreg:$0x5] =	wrdreg $0x9  }
0xb3: {  	_ =	task.clear_ibuf [dreg:s8], $0x6FFFF;
	_ =	strace $0x90000046  }
0xb4: {  	s29 =	simm.s32 $0x9;
	_ =	strace $0x80000048  }
0xb5: {  	_ =	swait.ge [sflag:s29], $0x1  }
0xb6: {  	[sflag:s29] =	ssyncadd.s32 $0xFFFFFFFF  }
0xb7: {  	_ =	strace $0x90000048  }
0xb8: {  	_ =	sfence  }
0xb9: {  	s30 =	sld [smem:$0x0];
	_ =	sdelay $0x2  }
0xba: {  	s31 =	sshll.u32 s1, $0xD;
	s1 =	sshrl.u32 s1, $0x2  }
0xbb: {  	s3 =	sand.u32 $0x4000, s31;
	s1 =	sadd.s32 s1, s30  }
0xbc: {  	s0 =	sor.u32 s3, s0;
	s1 =	sshll.u32 s1, $0x11  }
0xbd: {  	s0 =	sor.u32 s1, s0  }
0xbe: {  	s0 =	sadd.s32 $0x8F2B, s0  }
0xbf: {  	[sflag:s0] =	ssyncadd.remote.s32 $0x1  }
0xc0: {  	_ =	sfence.sel $0xFFFF  }
0xc1: {  	[dreg:$0x0] =	wrdreg $0xFFFFFFFF;
	(pc) =	sbr.abs _section_cstart, $3  }
0xc2: {  	[dreg:$0x1] =	wrdreg $0xFFFFFFFF  }
0xc3: {  	_ =	task.clear_ibuf [dreg:s8], $0x2FFFF;
	_ =	strace $0x9FFFFFFF  }
0xc4: {  	(tm) =	ssettm $0x7FFFFFFF  }
0xc5: {  	_ =	shalt  }
tec
execute0_lowered:
.L_overlay_start_1:
0x0: {  	(tag) =	ssettag $0x1  }
0x1: {  	s2 =	srdreg.scid;
	s1 =	rddreg [dreg:$0x0]  }
0x2: {  	s0 =	stileid.u32;
	s5 =	rddreg [dreg:$0x1]  }
0x3: {  	s7 =	rddreg [dreg:$0x2];
	s3 =	simm.s32 $0x0;
	s10 =	simm.s32 $0xE00  }
0x4: {  	s11 =	simm.s32 $0x5C00;
	s12 =	simm.s32 $0xC00;
	s13 =	simm.s32 $0x1C00  }
0x5: {  	s14 =	simm.s32 $0x6A00;
	s15 =	simm.s32 $0x2800;
	s16 =	simm.s32 $0x7600  }
0x6: {  	s17 =	simm.s32 $0x8200;
	s18 =	simm.s32 $0x1;
	s19 =	simm.s32 $0x2  }
0x7: {  	s20 =	simm.s32 $0x3;
	s4 =	sand.u32 $0x1, s2;
	s29 =	sshll.u32 s0, $0x1  }
0x8: {  	s21 =	simm.s32 $0x4;
	s30 =	sshrl.u32 s0, $0x2;
	s6 =	sor.u32 s4, s29  }
0x9: {  	s22 =	simm.s32 $0x8280;
	s8 =	smul.u32 $0x27000, s30;
	s9 =	sshll.u32 s6, $0x7  }
0xa: {  	s23 =	simm.s32 $0x0;
	s2 =	rddreg [dreg:$0x3];
	s9 =	sand.u32 $0x380, s9  }
0xb: {  	[smem:$0x7FF] =	sst s3;
	s4 =	ssub.s32 $0x2, s4;
	s8 =	sor.u32 s8, s9  }
0xc: {  	_ =	strace $0x80000047;
	s31 =	sshrl.u32 s4, $0x1;
	s8 =	sshrl.u32 s8, $0x3  }
0xd: {  	s6 =	sshll.u32 s6, $0x6;
	s9 =	simm.s32 $0x5;
	s5 =	sadd.s32 s8, s5  }
0xe: {  	s8 =	ssub.s32 s4, s31;
	s4 =	sadd.s32 $0x600, s5;
	s5 =	sadd.s32 s7, s6  }
0xf: {  	s6 =	smax.u32 s8, $0x1;
	s7 =	simm.s32 $0x80;
	s8 =	simm.s32 $0x400  }
.LBB2_1:
0x10: {  	[tilespmem:s3], [sflag:$0x5] =	stream.strided.gather [hbm4b:s4+s7], $0x4E00, s8, s7, $0x38;
	[tilespmem:$0x8480] =	vst v63  }
0x11: {  	_ =	swait.ge [sflag:s9], $0x4E00  }
0x12: {  	[sflag:s9] =	ssyncset.done $0x0  }
0x13: {  	s24 =	simm.s32 $0x4E00;
	[sflag:s9] =	ssyncadd.s32 $0xFFFFB200  }
0x14: {  	[tilespmem:s24], [sflag:$0x1] =	stream.indirect.gather [hbm4b:s1+s10], $0x1, s3, s10, $0xb8;
	[tilespmem:$0x8480] =	vst v63  }
0x15: {  	_ = 	snop  }
0x16: {  	[tilespmem:s11], [sflag:$0x2] =	stream.indirect.gather [hbm4b:s1+s10], $0x1, s10, s10, $0xb8;
	[tilespmem:$0x8480] =	vst v63  }
0x17: {  	_ = 	snop  }
0x18: {  	[tilespmem:s14], [sflag:$0x3] =	stream.indirect.gather [hbm4b:s1+s12], $0x1, s13, s12, $0xb8;
	[tilespmem:$0x8480] =	vst v63  }
0x19: {  	_ = 	snop  }
0x1a: {  	[tilespmem:s16], [sflag:$0x4] =	stream.indirect.gather [hbm4b:s1+s12], $0x1, s15, s12, $0xb8;
	[tilespmem:$0x8480] =	vst v63  }
0x1b: {  	_ = 	snop  }
0x1c: {  	[tilespmem:s17], [sflag:$0x5] =	stream.linear.gather [hbm4b:s1+s3], $0x10, $0x38;
	[tilespmem:$0x8480] =	vst v63  }
0x1d: {  	_ =	swait.ge [sflag:s9], $0x10  }
0x1e: {  	[sflag:s9] =	ssyncset.done $0x0  }
0x1f: {  	[sflag:s9] =	ssyncadd.s32 $0xFFFFFFF0  }
0x20: {  	v11 =	vld [tilespmem:$0x8200];
	_ =	swait.ge [sflag:s18], $0xE00  }
0x21: {  	[sflag:s18] =	ssyncset.done $0x0  }
0x22: {  	s25 =	sand.u32 $0x1F0, s3;
	[sflag:s18] =	ssyncadd.s32 $0xFFFFF200  }
0x23: {  	v3 =	vld [tilespmem:s25+$0x3400]  }
0x24: {  	v4 =	vld [tilespmem:s25+$0x3600];
	_ =	sdelay $0x1  }
0x25: {  	v5 =	vld [tilespmem:s25+$0x3800]  }
0x26: {  	v1 =	vbroadcast v11, $0x0;
	v2 =	vbroadcast v11, $0x1  }
0x27: {  	v6 =	vld [tilespmem:s25+$0x3A00];
	v0 =	vbroadcast v11, $0x2  }
0x28: {  	v7 =	vmul.f32 v3, v1;
	v4 =	vmul.f32 v4, v2  }
0x29: {  	v8 =	vld [tilespmem:s25+$0x3C00]  }
0x2a: {  	v3 =	vbroadcast v11, $0x3;
	v5 =	vmul.f32 v5, v0;
	v7 =	vadd.f32 v4, v7  }
0x2b: {  	v9 =	vld [tilespmem:s25+$0x3E00]  }
0x2c: {  	v4 =	vbroadcast v11, $0x4;
	v6 =	vmul.f32 v6, v3;
	v7 =	vadd.f32 v5, v7  }
0x2d: {  	v10 =	vld [tilespmem:s25+$0x4000]  }
0x2e: {  	v5 =	vbroadcast v11, $0x5;
	v8 =	vmul.f32 v8, v4;
	v7 =	vadd.f32 v6, v7  }
0x2f: {  	v12 =	vld [tilespmem:s25+$0x4200]  }
0x30: {  	v6 =	vbroadcast v11, $0x6;
	v9 =	vmul.f32 v9, v5;
	v8 =	vadd.f32 v8, v7  }
0x31: {  	v13 =	vld [tilespmem:s25+$0x4400]  }
0x32: {  	v7 =	vbroadcast v11, $0x7;
	v10 =	vmul.f32 v10, v6;
	v9 =	vadd.f32 v9, v8  }
0x33: {  	v14 =	vld [tilespmem:s25+$0x4600]  }
0x34: {  	v8 =	vbroadcast v11, $0x8;
	v12 =	vmul.f32 v12, v7;
	v10 =	vadd.f32 v10, v9  }
0x35: {  	v15 =	vld [tilespmem:s25+$0x4800]  }
0x36: {  	v9 =	vbroadcast v11, $0x9;
	v13 =	vmul.f32 v13, v8;
	v12 =	vadd.f32 v12, v10  }
0x37: {  	v16 =	vld [tilespmem:s25+$0x4A00]  }
0x38: {  	v10 =	vbroadcast v11, $0xA;
	v14 =	vmul.f32 v14, v9;
	v13 =	vadd.f32 v13, v12  }
0x39: {  	v17 =	vld [tilespmem:s25+$0x4C00]  }
0x3a: {  	v12 =	vbroadcast v11, $0xB;
	v13 =	vadd.f32 v14, v13;
	v14 =	vmul.f32 v15, v10;
	_ =	sdelay $0x1  }
0x3b: {  	v11 =	vbroadcast v11, $0xC;
	v13 =	vadd.f32 v14, v13;
	v14 =	vmul.f32 v16, v12  }
0x3c: {  	v15 =	vld [tilespmem:s24+$0x0]  }
0x3d: {  	v13 =	vadd.f32 v14, v13;
	v14 =	vmul.f32 v17, v11  }
0x3e: {  	v62 =	vld [tilespmem:s25+$0x5000]  }
0x3f: {  	v13 =	vadd.f32 v14, v13  }
0x40: {  	v14 =	vld [tilespmem:s25+$0x5200]  }
0x41: {  	v13 =	vadd.f32 v13, v15  }
0x42: {  	v15 =	vld [tilespmem:s25+$0x5400]  }
0x43: {  	v13 =	vadd.f32 v13, v62  }
0x44: {  	v63 =	vld [tilespmem:s25+$0x5600]  }
0x45: {  	v13 =	vadd.f32 v13, v14  }
0x46: {  	v14 =	vld [tilespmem:s25+$0x5800]  }
0x47: {  	v13 =	vadd.f32 v13, v15  }
0x48: {  	v15 =	vld [tilespmem:s25+$0x5A00]  }
0x49: {  	v13 =	vadd.f32 v13, v63;
	_ =	sdelay $0x1  }
0x4a: {  	v13 =	vadd.f32 v13, v14;
	_ =	sdelay $0x1  }
0x4b: {  	v13 =	vadd.f32 v13, v15  }
0x4c: {  	s31 =	simm.s32 $0x10  }
0x4d: {  	s26 =	sand.u32 $0x1F0, s31;
	[tilespmem:s22+$0x0] =	vst v13  }
0x4e: {  	s28 =	simm.s32 $0x20;
	s25 =	simm.s32 $0x8280;
	v13 =	vld [tilespmem:s26+$0x3400]  }
.LBB2_2:
0x4f: {  	p0 =	sne.s32 s28, $0x1F0;
	v14 =	vld [tilespmem:s26+$0x3600];
	_ =	sdelay $0x1  }
0x50: {  	v15 =	vld [tilespmem:s26+$0x3800];
	_ =	sdelay $0x1  }
0x51: {  	v16 =	vld [tilespmem:s26+$0x3A00]  }
0x52: {  	v13 =	vmul.f32 v13, v1;
	v14 =	vmul.f32 v14, v2  }
0x53: {  	v17 =	vld [tilespmem:s26+$0x3C00]  }
0x54: {  	v13 =	vadd.f32 v14, v13;
	v14 =	vmul.f32 v15, v0  }
0x55: {  	v15 =	vld [tilespmem:s26+$0x3E00]  }
0x56: {  	v13 =	vadd.f32 v14, v13;
	v14 =	vmul.f32 v16, v3  }
0x57: {  	v16 =	vld [tilespmem:s26+$0x4000]  }
0x58: {  	v13 =	vadd.f32 v14, v13;
	v14 =	vmul.f32 v17, v4  }
0x59: {  	v17 =	vld [tilespmem:s26+$0x4200]  }
0x5a: {  	v13 =	vadd.f32 v14, v13;
	v14 =	vmul.f32 v15, v5  }
0x5b: {  	v15 =	vld [tilespmem:s26+$0x4400]  }
0x5c: {  	v13 =	vadd.f32 v14, v13;
	v14 =	vmul.f32 v16, v6  }
0x5d: {  	v16 =	vld [tilespmem:s26+$0x4600]  }
0x5e: {  	v13 =	vadd.f32 v14, v13;
	v14 =	vmul.f32 v17, v7  }
0x5f: {  	v17 =	vld [tilespmem:s26+$0x4800]  }
0x60: {  	v13 =	vadd.f32 v14, v13;
	v14 =	vmul.f32 v15, v8  }
0x61: {  	v15 =	vld [tilespmem:s26+$0x4A00]  }
0x62: {  	v13 =	vadd.f32 v14, v13;
	v14 =	vmul.f32 v16, v9  }
0x63: {  	v16 =	vld [tilespmem:s26+$0x4C00]  }
0x64: {  	v13 =	vadd.f32 v14, v13;
	v14 =	vmul.f32 v17, v10;
	_ =	sdelay $0x1  }
0x65: {  	s24 =	sadd.s32 $0x10, s24;
	v13 =	vadd.f32 v14, v13;
	v14 =	vmul.f32 v15, v12  }
0x66: {  	v15 =	vld [tilespmem:s24+$0x0]  }
0x67: {  	v13 =	vadd.f32 v14, v13;
	v14 =	vmul.f32 v16, v11  }
0x68: {  	v16 =	vld [tilespmem:s26+$0x5000]  }
0x69: {  	v13 =	vadd.f32 v14, v13  }
0x6a: {  	v14 =	vld [tilespmem:s26+$0x5200]  }
0x6b: {  	v13 =	vadd.f32 v13, v15  }
0x6c: {  	v15 =	vld [tilespmem:s26+$0x5400]  }
0x6d: {  	v13 =	vadd.f32 v13, v16  }
0x6e: {  	v16 =	vld [tilespmem:s26+$0x5600]  }
0x6f: {  	v13 =	vadd.f32 v13, v14  }
0x70: {  	v14 =	vld [tilespmem:s26+$0x5800]  }
0x71: {  	v13 =	vadd.f32 v13, v15  }
0x72: {  	v15 =	vld [tilespmem:s26+$0x5A00]  }
0x73: {  	v13 =	vadd.f32 v13, v16;
	_ =	sdelay $0x1  }
0x74: {  	v13 =	vadd.f32 v13, v14  }
.Ltmp0:
0x75: {  	(pc) =	sbr.rel @p0 .LBB2_2-.Ltmp0, $4  }
0x76: {  	v13 =	vadd.f32 v13, v15  }
0x77: {  	s25 =	sadd.s32 $0x10, s25  }
0x78: {  	s26 =	sand.u32 $0x1F0, s28;
	[tilespmem:s25+$0x0] =	vst v13  }
0x79: {  	s28 =	sadd.s32 $0x10, s28;
	v13 =	vld [tilespmem:s26+$0x3400]  }
0x7a: {  	v14 =	vld [tilespmem:s26+$0x3600];
	_ =	sdelay $0x1  }
0x7b: {  	v15 =	vld [tilespmem:s26+$0x3800];
	_ =	sdelay $0x1  }
0x7c: {  	v16 =	vld [tilespmem:s26+$0x3A00]  }
0x7d: {  	v1 =	vmul.f32 v13, v1;
	v2 =	vmul.f32 v14, v2  }
0x7e: {  	v61 =	vld [tilespmem:s26+$0x3C00]  }
0x7f: {  	v0 =	vmul.f32 v15, v0;
	v1 =	vadd.f32 v2, v1  }
0x80: {  	v2 =	vld [tilespmem:s26+$0x3E00]  }
0x81: {  	v0 =	vadd.f32 v0, v1;
	v1 =	vmul.f32 v16, v3  }
0x82: {  	v3 =	vld [tilespmem:s26+$0x4000]  }
0x83: {  	v0 =	vadd.f32 v1, v0;
	v1 =	vmul.f32 v61, v4  }
0x84: {  	v62 =	vld [tilespmem:s26+$0x4200]  }
0x85: {  	v0 =	vadd.f32 v1, v0;
	v1 =	vmul.f32 v2, v5  }
0x86: {  	v2 =	vld [tilespmem:s26+$0x4400]  }
0x87: {  	v0 =	vadd.f32 v1, v0;
	v1 =	vmul.f32 v3, v6  }
0x88: {  	v3 =	vld [tilespmem:s26+$0x4600]  }
0x89: {  	v0 =	vadd.f32 v1, v0;
	v1 =	vmul.f32 v62, v7  }
0x8a: {  	v63 =	vld [tilespmem:s26+$0x4800]  }
0x8b: {  	v0 =	vadd.f32 v1, v0;
	v1 =	vmul.f32 v2, v8  }
0x8c: {  	v2 =	vld [tilespmem:s26+$0x4A00]  }
0x8d: {  	v0 =	vadd.f32 v1, v0;
	v1 =	vmul.f32 v3, v9  }
0x8e: {  	v3 =	vld [tilespmem:s26+$0x4C00]  }
0x8f: {  	v0 =	vadd.f32 v1, v0;
	v1 =	vmul.f32 v63, v10;
	_ =	sdelay $0x1  }
0x90: {  	s24 =	sadd.s32 $0x10, s24;
	v0 =	vadd.f32 v1, v0;
	v1 =	vmul.f32 v2, v12  }
0x91: {  	v2 =	vld [tilespmem:s24+$0x0]  }
0x92: {  	v0 =	vadd.f32 v1, v0;
	v1 =	vmul.f32 v3, v11  }
0x93: {  	v3 =	vld [tilespmem:s26+$0x5000]  }
0x94: {  	v0 =	vadd.f32 v1, v0  }
0x95: {  	v1 =	vld [tilespmem:s26+$0x5200]  }
0x96: {  	v0 =	vadd.f32 v0, v2  }
0x97: {  	v2 =	vld [tilespmem:s26+$0x5400]  }
0x98: {  	v0 =	vadd.f32 v0, v3  }
0x99: {  	v3 =	vld [tilespmem:s26+$0x5600]  }
0x9a: {  	v0 =	vadd.f32 v0, v1  }
0x9b: {  	v1 =	vld [tilespmem:s26+$0x5800]  }
0x9c: {  	v0 =	vadd.f32 v0, v2  }
0x9d: {  	v2 =	vld [tilespmem:s26+$0x5A00]  }
0x9e: {  	v0 =	vadd.f32 v0, v3;
	_ =	sdelay $0x1  }
0x9f: {  	v0 =	vadd.f32 v0, v1;
	_ =	sdelay $0x1  }
0xa0: {  	v0 =	vadd.f32 v0, v2  }
0xa1: {  	s30 =	sadd.s32 $0x10, s25  }
0xa2: {  	[tilespmem:s30+$0x0] =	vst v0  }
0xa3: {  	_ =	swait.ge [sflag:s19], $0xE00  }
0xa4: {  	s31 =	simm.s32 $0x0;
	[sflag:s19] =	ssyncset.done $0x0  }
0xa5: {  	s25 =	sand.u32 $0x1F0, s31;
	[sflag:s19] =	ssyncadd.s32 $0xFFFFF200  }
0xa6: {  	s24 =	simm.s32 $0x8280;
	s26 =	simm.s32 $0x10;
	v0 =	vld [tilespmem:s25+$0x5C00]  }
.LBB2_4:
0xa7: {  	p0 =	sne.s32 s26, $0x1F0;
	v1 =	vld [tilespmem:s24+$0x0];
	_ =	sdelay $0x1  }
0xa8: {  	v2 =	vld [tilespmem:s25+$0x5E00];
	_ =	sdelay $0x1  }
0xa9: {  	v3 =	vld [tilespmem:s25+$0x6000]  }
0xaa: {  	v0 =	vadd.f32 v0, v1  }
0xab: {  	v1 =	vld [tilespmem:s25+$0x6200]  }
0xac: {  	v0 =	vadd.f32 v2, v0  }
0xad: {  	v2 =	vld [tilespmem:s25+$0x6400]  }
0xae: {  	v0 =	vadd.f32 v3, v0  }
0xaf: {  	v3 =	vld [tilespmem:s25+$0x6600]  }
0xb0: {  	v0 =	vadd.f32 v1, v0  }
0xb1: {  	v1 =	vld [tilespmem:s25+$0x6800]  }
0xb2: {  	v0 =	vadd.f32 v2, v0;
	_ =	sdelay $0x1  }
0xb3: {  	v0 =	vadd.f32 v3, v0  }
.Ltmp1:
0xb4: {  	(pc) =	sbr.rel @p0 .LBB2_4-.Ltmp1, $3  }
0xb5: {  	v0 =	vadd.f32 v1, v0;
	_ =	sdelay $0x1  }
0xb6: {  	s25 =	sand.u32 $0x1F0, s26;
	[tilespmem:s24+$0x0] =	vst v0  }
0xb7: {  	s26 =	sadd.s32 $0x10, s26;
	s24 =	sadd.s32 $0x10, s24;
	v0 =	vld [tilespmem:s25+$0x5C00]  }
0xb8: {  	v1 =	vld [tilespmem:s24+$0x0];
	_ =	sdelay $0x1  }
0xb9: {  	v2 =	vld [tilespmem:s25+$0x5E00];
	_ =	sdelay $0x1  }
0xba: {  	v3 =	vld [tilespmem:s25+$0x6000]  }
0xbb: {  	v0 =	vadd.f32 v0, v1  }
0xbc: {  	v1 =	vld [tilespmem:s25+$0x6200]  }
0xbd: {  	v0 =	vadd.f32 v2, v0  }
0xbe: {  	v2 =	vld [tilespmem:s25+$0x6400]  }
0xbf: {  	v0 =	vadd.f32 v3, v0  }
0xc0: {  	v3 =	vld [tilespmem:s25+$0x6600]  }
0xc1: {  	v0 =	vadd.f32 v1, v0  }
0xc2: {  	v1 =	vld [tilespmem:s25+$0x6800]  }
0xc3: {  	v0 =	vadd.f32 v2, v0;
	_ =	sdelay $0x1  }
0xc4: {  	v0 =	vadd.f32 v3, v0;
	_ =	sdelay $0x1  }
0xc5: {  	v0 =	vadd.f32 v1, v0;
	_ =	sdelay $0x1  }
0xc6: {  	[tilespmem:s24+$0x0] =	vst v0  }
0xc7: {  	_ =	swait.ge [sflag:s20], $0xC00  }
0xc8: {  	s31 =	simm.s32 $0x0;
	[sflag:s20] =	ssyncset.done $0x0  }
0xc9: {  	s25 =	sand.u32 $0x1F0, s31;
	[sflag:s20] =	ssyncadd.s32 $0xFFFFF400  }
0xca: {  	s26 =	simm.s32 $0x10;
	s24 =	simm.s32 $0x8280;
	v0 =	vld [tilespmem:s25+$0x6A00]  }
.LBB2_6:
0xcb: {  	p0 =	sne.s32 s26, $0x1F0;
	v1 =	vld [tilespmem:s24+$0x0];
	_ =	sdelay $0x1  }
0xcc: {  	v2 =	vld [tilespmem:s25+$0x6C00];
	_ =	sdelay $0x1  }
0xcd: {  	v3 =	vld [tilespmem:s25+$0x6E00]  }
0xce: {  	v0 =	vadd.f32 v0, v1  }
0xcf: {  	v1 =	vld [tilespmem:s25+$0x7000]  }
0xd0: {  	v0 =	vadd.f32 v2, v0  }
0xd1: {  	v2 =	vld [tilespmem:s25+$0x7200]  }
0xd2: {  	v0 =	vadd.f32 v3, v0  }
0xd3: {  	v3 =	vld [tilespmem:s25+$0x7400]  }
0xd4: {  	v0 =	vadd.f32 v1, v0;
	_ =	sdelay $0x1  }
0xd5: {  	v0 =	vadd.f32 v2, v0  }
.Ltmp2:
0xd6: {  	(pc) =	sbr.rel @p0 .LBB2_6-.Ltmp2, $3  }
0xd7: {  	v0 =	vadd.f32 v3, v0;
	_ =	sdelay $0x1  }
0xd8: {  	s25 =	sand.u32 $0x1F0, s26;
	[tilespmem:s24+$0x0] =	vst v0  }
0xd9: {  	s26 =	sadd.s32 $0x10, s26;
	s24 =	sadd.s32 $0x10, s24;
	v0 =	vld [tilespmem:s25+$0x6A00]  }
0xda: {  	v1 =	vld [tilespmem:s24+$0x0];
	_ =	sdelay $0x1  }
0xdb: {  	v2 =	vld [tilespmem:s25+$0x6C00];
	_ =	sdelay $0x1  }
0xdc: {  	v3 =	vld [tilespmem:s25+$0x6E00]  }
0xdd: {  	v0 =	vadd.f32 v0, v1  }
0xde: {  	v1 =	vld [tilespmem:s25+$0x7000]  }
0xdf: {  	v0 =	vadd.f32 v2, v0  }
0xe0: {  	v2 =	vld [tilespmem:s25+$0x7200]  }
0xe1: {  	v0 =	vadd.f32 v3, v0  }
0xe2: {  	v3 =	vld [tilespmem:s25+$0x7400]  }
0xe3: {  	v0 =	vadd.f32 v1, v0;
	_ =	sdelay $0x1  }
0xe4: {  	v0 =	vadd.f32 v2, v0;
	_ =	sdelay $0x1  }
0xe5: {  	v0 =	vadd.f32 v3, v0;
	_ =	sdelay $0x1  }
0xe6: {  	[tilespmem:s24+$0x0] =	vst v0  }
0xe7: {  	_ =	swait.ge [sflag:s21], $0xC00  }
0xe8: {  	s31 =	simm.s32 $0x0;
	[sflag:s21] =	ssyncset.done $0x0  }
0xe9: {  	s26 =	sand.u32 $0x1F0, s31;
	[sflag:s21] =	ssyncadd.s32 $0xFFFFF400  }
0xea: {  	s25 =	simm.s32 $0x10;
	s24 =	simm.s32 $0x8280;
	v0 =	vld [tilespmem:s26+$0x7600]  }
.LBB2_8:
0xeb: {  	p0 =	sne.s32 s25, $0x1F0;
	v1 =	vld [tilespmem:s24+$0x0];
	_ =	sdelay $0x1  }
0xec: {  	v2 =	vld [tilespmem:s26+$0x7800];
	_ =	sdelay $0x1  }
0xed: {  	v3 =	vld [tilespmem:s26+$0x7A00]  }
0xee: {  	v0 =	vadd.f32 v0, v1  }
0xef: {  	v1 =	vld [tilespmem:s26+$0x7C00]  }
0xf0: {  	v0 =	vadd.f32 v2, v0  }
0xf1: {  	v2 =	vld [tilespmem:s26+$0x7E00]  }
0xf2: {  	v0 =	vadd.f32 v3, v0  }
0xf3: {  	v3 =	vld [tilespmem:s26+$0x8000]  }
0xf4: {  	v0 =	vadd.f32 v1, v0;
	_ =	sdelay $0x1  }
0xf5: {  	v0 =	vadd.f32 v2, v0;
	_ =	sdelay $0x1  }
0xf6: {  	v0 =	vadd.f32 v3, v0;
	_ =	sdelay $0x1  }
0xf7: {  	v0 =	vsub.f32 $0.0e+00, v0;
	_ =	sdelay $0x1  }
0xf8: {  	v0 =	vmul.f32 $1.442695020e+00, v0;
	_ =	sdelay $0x1  }
0xf9: {  	(erf) = vpow2.f32 v0;
	_ =	sdelay $0x8  }
0xfa: {  	v0 =	vpop (erf)  }
0xfb: {  	v0 =	vadd.f32 $1.000000000e+00, v0;
	_ =	sdelay $0x1  }
0xfc: {  	(erf) = vrcp.f32 v0;
	_ =	sdelay $0x6  }
.Ltmp3:
0xfd: {  	(pc) =	sbr.rel @p0 .LBB2_8-.Ltmp3, $4  }
0xfe: {  	_ = 	snop  }
0xff: {  	v0 =	vpop (erf)  }
0x100: {  	s26 =	sand.u32 $0x1F0, s25;
	[tilespmem:s24+$0x0] =	vst v0  }
0x101: {  	s25 =	sadd.s32 $0x10, s25;
	s24 =	sadd.s32 $0x10, s24;
	v0 =	vld [tilespmem:s26+$0x7600]  }
0x102: {  	v1 =	vld [tilespmem:s24+$0x0];
	_ =	sdelay $0x1  }
0x103: {  	v2 =	vld [tilespmem:s26+$0x7800];
	_ =	sdelay $0x1  }
0x104: {  	v3 =	vld [tilespmem:s26+$0x7A00]  }
0x105: {  	v0 =	vadd.f32 v0, v1  }
0x106: {  	v61 =	vld [tilespmem:s26+$0x7C00]  }
0x107: {  	v0 =	vadd.f32 v2, v0  }
0x108: {  	v62 =	vld [tilespmem:s26+$0x7E00]  }
0x109: {  	v0 =	vadd.f32 v3, v0  }
0x10a: {  	v63 =	vld [tilespmem:s26+$0x8000]  }
0x10b: {  	v0 =	vadd.f32 v61, v0;
	_ =	sdelay $0x1  }
0x10c: {  	v0 =	vadd.f32 v62, v0;
	_ =	sdelay $0x1  }
0x10d: {  	v0 =	vadd.f32 v63, v0;
	_ =	sdelay $0x1  }
0x10e: {  	v0 =	vsub.f32 $0.0e+00, v0;
	_ =	sdelay $0x1  }
0x10f: {  	v0 =	vmul.f32 $1.442695020e+00, v0;
	_ =	sdelay $0x1  }
0x110: {  	(erf) = vpow2.f32 v0;
	_ =	sdelay $0x8  }
0x111: {  	v0 =	vpop (erf)  }
0x112: {  	v0 =	vadd.f32 $1.000000000e+00, v0;
	_ =	sdelay $0x1  }
0x113: {  	(erf) = vrcp.f32 v0;
	_ =	sdelay $0x7  }
0x114: {  	s23 =	sadd.s32 $0x1, s23  }
0x115: {  	p0 =	sne.s32 s23, s6;
	v0 =	vpop (erf)  }
.Ltmp4:
0x116: {  	[tilespmem:s24+$0x0] =	vst v0;
	(pc) =	sbr.rel @p0 .LBB2_1-.Ltmp4, $4  }
0x117: {  	[hbm4b:s5+s3] =	stream.linear.scatter [tilespmem:s22], [sflag:$0x5], $0x200, $0x38;
	[tilespmem:$0x8480] =	vst v63  }
0x118: {  	_ =	swait.ge [sflag:s9], $0x200  }
0x119: {  	[sflag:s9] =	ssyncset.done $0x0  }
0x11a: {  	[sflag:s9] =	ssyncadd.s32 $0xFFFFFE00  }
0x11b: {  	_ =	sfence.sel $0x180000  }
0x11c: {  	[bflag:$0x0] =	sbarrier.arrive $0xFFFF  }
0x11d: {  	p0 =	sne.s32 s0, $0x0;
	_ =	strace $0x90000047  }
0x11e: {  	s0 =	sadd.s32 @!p0 $0x100000, s2;
	[bflag:$0x2] =	sbarrier.arrive $0xFFFF  }
0x11f: {  	[sflag:s0] =	ssyncadd.tile.s32 @!p0 $0x1;
	_ =	shalt  }
.Lfunc_end2:
_tile_overlayer_lowered:
.L_overlay_start_2:
0x120: {  	(tag) =	ssettag $0x2  }
0x121: {  	s0 =	rddreg [dreg:$0x0];
	s2 =	stileid.u32  }
0x122: {  	s1 =	rddreg [dreg:$0x1];
	p0 =	sne.s32 s2, $0x0  }
0x123: {  	s3 =	rddreg [dreg:$0x2];
	[bflag:$0x3] =	sbarrier.arrive $0xFFFF;
	s2 =	simm.s32 @!p0 $0x1C05  }
0x124: {  	[timem:s3], [sflag:s2] =	dma.local @!p0 [hbm:s0], s1  }
0x125: {  	s0 =	simm.s32 @!p0 $0x5  }
0x126: {  	_ =	swait.ge @!p0 [sflag:s0], s1  }
0x127: {  	s1 =	ssub.s32 @!p0 $0x0, s1;
	[sflag:s0] =	ssyncset.done @!p0 $0x0  }
0x128: {  	[sflag:s0] =	ssyncadd.s32 @!p0 s1  }
0x129: {  	[bflag:$0x3] =	sbarrier.arrive $0xFFFF  }
0x12a: {  	_ =	shalt  }

</sc_bundles>
